<compile_context>
chip_gen: v7x
topology: tpu7x:2x2x1
jax: 0.10.2.dev20260603
libtpu: 0.0.44.dev20260713+nightly
codegen_flags: <defaults>
</compile_context>

<pallas_src>
import jax
import jax.numpy as jnp
from jax import lax
from jax.experimental import pallas as pl
from jax.experimental.pallas import tpu as pltpu
from jax.experimental.pallas import tpu_sc as plsc

D = 128
CHUNK = 128
NBUF = 2
NUM_CORES = 2
NUM_SUBCORES = 16
NTILES = NUM_CORES * NUM_SUBCORES
LANES = 16


def _sage_aggregate(x, ei, npad, with_cnt):
  rows_per_tile = npad // NUM_SUBCORES
  zchunks = rows_per_tile // CHUNK
  e_all = ei.shape[0] // 2
  epc = e_all // NTILES
  cpt = epc // CHUNK
  tail = epc % CHUNK
  cpt_pipe = cpt - (cpt % NBUF)

  out_types = [jax.ShapeDtypeStruct((NUM_CORES, npad, D), jnp.float32)]
  if with_cnt:
    out_types.append(jax.ShapeDtypeStruct((NUM_CORES, npad), jnp.float32))

  scratch = (
      [pltpu.VMEM((CHUNK, D), jnp.float32) for _ in range(NBUF)]
      + [pltpu.VMEM((CHUNK,), jnp.int32) for _ in range(NBUF)]
      + [
          pltpu.VMEM((epc,), jnp.int32),
          pltpu.VMEM((max(tail, 1),), jnp.int32),
          pltpu.VMEM((CHUNK,), jnp.float32),
          pltpu.VMEM((CHUNK,), jnp.float32),
          pltpu.VMEM_SHARED((npad, D), jnp.float32),
          pltpu.VMEM_SHARED((npad,), jnp.float32),
      ]
      + [pltpu.SemaphoreType.DMA for _ in range(NBUF)]
      + [pltpu.SemaphoreType.DMA for _ in range(NBUF)]
      + [pltpu.SemaphoreType.DMA, pltpu.SemaphoreType.DMA]
  )
  mesh = plsc.VectorSubcoreMesh(core_axis_name="c", subcore_axis_name="s")

  def body(x_hbm, ei_hbm, *refs):
    it = iter(refs)
    agg_out = next(it)
    cnt_out = next(it) if with_cnt else None
    rows = [next(it) for _ in range(NBUF)]
    dbuf = [next(it) for _ in range(NBUF)]
    sidx = next(it)
    dtail = next(it)
    ones_v = next(it)
    zrow_v = next(it)
    agg_sh = next(it)
    cnt_sh = next(it)
    gsem = [next(it) for _ in range(NBUF)]
    dsem = [next(it) for _ in range(NBUF)]
    ssem = next(it)
    csem = next(it)

    c = lax.axis_index("c")
    s = lax.axis_index("s")
    wid = s * NUM_CORES + c
    row0 = s * rows_per_tile

    ebase = wid * epc
    dbase = e_all + ebase
    ssd = pltpu.async_copy(ei_hbm.at[pl.ds(ebase, epc)], sidx, gsem[0])

    def fill_rows(i, _):
      r = i // (D // LANES)
      col = (i % (D // LANES)) * LANES
      rows[0][r, pl.ds(col, LANES)] = jnp.zeros((LANES,), jnp.float32)
      return 0
    lax.fori_loop(0, CHUNK * (D // LANES), fill_rows, 0)

    def fill_small(i, _):
      ones_v[pl.ds(i * LANES, LANES)] = jnp.ones((LANES,), jnp.float32)
      zrow_v[pl.ds(i * LANES, LANES)] = jnp.zeros((LANES,), jnp.float32)
      return 0
    lax.fori_loop(0, CHUNK // LANES, fill_small, 0)

    with jax.named_scope("zero_acc"):
      def zero_blk(k, _):
        pltpu.sync_copy(rows[0], agg_sh.at[pl.ds(row0 + k * CHUNK, CHUNK)])
        pltpu.sync_copy(zrow_v, cnt_sh.at[pl.ds(row0 + k * CHUNK, CHUNK)])
        return 0
      lax.fori_loop(0, zchunks, zero_blk, 0)
      ssd.wait()
      plsc.subcore_barrier()

    def prep(j, b):
      pltpu.async_copy(ei_hbm.at[pl.ds(dbase + j * CHUNK, CHUNK)],
                       dbuf[b], dsem[b])
      pltpu.async_copy(x_hbm.at[sidx.at[pl.ds(j * CHUNK, CHUNK)]],
                       rows[b], gsem[b])

    def consume(j, b, prefetch):
      pltpu.make_async_copy(ei_hbm.at[pl.ds(dbase + j * CHUNK, CHUNK)],
                            dbuf[b], dsem[b]).wait()
      pltpu.make_async_copy(x_hbm.at[sidx.at[pl.ds(j * CHUNK, CHUNK)]],
                            rows[b], gsem[b]).wait()
      sc = pltpu.async_copy(rows[b], agg_sh.at[dbuf[b]], ssem, add=True)
      if with_cnt:
        cc = pltpu.async_copy(ones_v, cnt_sh.at[dbuf[b]], csem, add=True)
      sc.wait()
      if with_cnt:
        cc.wait()
      if prefetch:
        prep(j + NBUF, b)

    with jax.named_scope("edge_loop"):
      for b in range(min(NBUF, cpt_pipe)):
        prep(b, b)

      def outer(jo, _):
        for b in range(NBUF):
          consume(jo * NBUF + b, b, True)
        return 0
      if cpt_pipe >= NBUF:
        lax.fori_loop(0, cpt_pipe // NBUF - 1, outer, 0)
        for b in range(NBUF):
          consume(cpt_pipe - NBUF + b, b, False)
      for j in range(cpt_pipe, cpt):
        prep(j, 0)
        consume(j, 0, False)
      if tail:
        toff = cpt * CHUNK
        pltpu.sync_copy(ei_hbm.at[pl.ds(dbase + toff, tail)], dtail)
        pltpu.async_copy(x_hbm.at[sidx.at[pl.ds(toff, tail)]],
                         rows[0].at[pl.ds(0, tail)], gsem[0]).wait()
        pltpu.sync_copy(rows[0].at[pl.ds(0, tail)], agg_sh.at[dtail],
                        add=True)
        if with_cnt:
          pltpu.sync_copy(ones_v.at[pl.ds(0, tail)], cnt_sh.at[dtail],
                          add=True)
      plsc.subcore_barrier()

    with jax.named_scope("writeback"):
      def writeback(k, _):
        r = row0 + k * CHUNK
        pltpu.sync_copy(agg_sh.at[pl.ds(r, CHUNK)], rows[0])
        pltpu.sync_copy(rows[0], agg_out.at[c, pl.ds(r, CHUNK)])
        if with_cnt:
          pltpu.sync_copy(cnt_sh.at[pl.ds(r, CHUNK)], zrow_v)
          pltpu.sync_copy(zrow_v, cnt_out.at[c, pl.ds(r, CHUNK)])
        return 0
      lax.fori_loop(0, zchunks, writeback, 0)

  res = pl.kernel(
      body,
      out_type=tuple(out_types),
      mesh=mesh,
      scratch_types=scratch,
  )(x, ei)
  if not with_cnt and isinstance(res, (tuple, list)):
    res = res[0]
  return res


def _sage_linear(agg_parts, cnt_col, x, Wl, b, Wr, relu):
  n = x.shape[0]
  bn = 2000
  grid = n // bn

  def body(agg_ref, cnt_ref, x_ref, wl_ref, b_ref, wr_ref, o_ref):
    mean = (agg_ref[0] + agg_ref[1]) / jnp.maximum(cnt_ref[...], 1.0)
    o = (jnp.dot(mean, wl_ref[...], preferred_element_type=jnp.float32)
         + b_ref[...]
         + jnp.dot(x_ref[...], wr_ref[...], preferred_element_type=jnp.float32))
    if relu:
      o = jnp.maximum(o, 0.0)
    o_ref[...] = o

  return pl.pallas_call(
      body,
      grid=(grid,),
      in_specs=[
          pl.BlockSpec((NUM_CORES, bn, D), lambda i: (0, i, 0)),
          pl.BlockSpec((bn, 1), lambda i: (i, 0)),
          pl.BlockSpec((bn, D), lambda i: (i, 0)),
          pl.BlockSpec((D, D), lambda i: (0, 0)),
          pl.BlockSpec((1, D), lambda i: (0, 0)),
          pl.BlockSpec((D, D), lambda i: (0, 0)),
      ],
      out_specs=pl.BlockSpec((bn, D), lambda i: (i, 0)),
      out_shape=jax.ShapeDtypeStruct((n, D), jnp.float32),
  )(agg_parts, cnt_col, x, Wl, b.reshape(1, D), Wr)


def kernel(x, edge_index, W1l, b1, W1r, W2l, b2, W2r):
  n = x.shape[0]
  e = edge_index.shape[1]
  rows_align = NUM_SUBCORES * CHUNK
  npad = ((n + 1 + rows_align - 1) // rows_align) * rows_align
  e_align = NTILES * 8
  e_pad = ((e + e_align - 1) // e_align) * e_align

  ei = edge_index.astype(jnp.int32)
  if e_pad != e:
    pad_i = jnp.arange(e_pad - e, dtype=jnp.int32)
    ei = jnp.concatenate(
        [ei, jnp.stack([pad_i % n, pad_i % (npad - n) + n])], axis=1)
  ei = ei.reshape(2 * e_pad)

  agg1, cnt = _sage_aggregate(x, ei, npad, True)
  cnt_col = (cnt[0] + cnt[1]).reshape(npad, 1)
  h = _sage_linear(agg1, cnt_col, x, W1l, b1, W1r, relu=True)
  agg2 = _sage_aggregate(h, ei, npad, False)
  return _sage_linear(agg2, cnt_col, h, W2l, b2, W2r, relu=False)

# --- scband reference (transcript-rebuilt; emitter-appended) ---
"""Pipeline reference for scband-gnn-14465449853446 (READ-ONLY COPY).

The authoritative reference and input builder live on the scoring server;
editing this copy changes nothing except your own understanding.
"""

import jax, jax.numpy as jnp
import numpy as np

N = 10000
E = 320000
D = 128

def setup_inputs(seed: int = 0) -> dict:
    key = jax.random.key(seed)
    ks = jax.random.split(key, 8)
    x = jax.random.normal(ks[0], (N, D), dtype=jnp.float32)
    edge_index = jax.random.randint(ks[1], (2, E), 0, N, dtype=jnp.int64)
    s = 1.0 / np.sqrt(D)
    W1l = jax.random.uniform(ks[2], (D, D), dtype=jnp.float32, minval=-s, maxval=s)
    b1 = jax.random.uniform(ks[3], (D,), dtype=jnp.float32, minval=-s, maxval=s)
    W1r = jax.random.uniform(ks[4], (D, D), dtype=jnp.float32, minval=-s, maxval=s)
    W2l = jax.random.uniform(ks[5], (D, D), dtype=jnp.float32, minval=-s, maxval=s)
    b2 = jax.random.uniform(ks[6], (D,), dtype=jnp.float32, minval=-s, maxval=s)
    W2r = jax.random.uniform(ks[7], (D, D), dtype=jnp.float32, minval=-s, maxval=s)
    return {"x": x, "edge_index": edge_index, "W1l": W1l, "b1": b1, "W1r": W1r, "W2l": W2l, "b2": b2, "W2r": W2r}

def _sage_conv(x, edge_index, Wl, bl, Wr):
    # PyG SAGEConv (aggr='mean', root_weight=True):
    #   out = lin_l(mean_{j in N(i)} x_j) + lin_r(x_i)
    src = edge_index[0]
    dst = edge_index[1]
    msgs = jnp.take(x, src, axis=0)  # gather source node features per edge
    agg = jax.ops.segment_sum(msgs, dst, num_segments=x.shape[0])
    cnt = jax.ops.segment_sum(jnp.ones((edge_index.shape[1],), dtype=x.dtype), dst, num_segments=x.shape[0])
    mean = agg / jnp.clip(cnt, 1.0, None)[:, None]
    return mean @ Wl + bl + x @ Wr

def reference(x, edge_index, W1l, b1, W1r, W2l, b2, W2r):
    h = jax.nn.relu(_sage_conv(x, edge_index, W1l, b1, W1r))
    out = _sage_conv(h, edge_index, W2l, b2, W2r)
    return out

if __name__ == "__main__":
    import jax
    _d = setup_inputs()
    print(jax.jit(kernel)(*tuple(_d.values())))

</pallas_src>

<mosaic_0001>
#map = affine_map<(d0, d1) -> (0, 0)>
#map1 = affine_map<(d0, d1) -> (0)>
#map2 = affine_map<(d0, d1) -> (0, 0, 0)>
module attributes {stable_mosaic.version = 14 : i64} {
  func.func @body(%arg0: i32, %arg1: i32, %arg2: memref<10000x128xf32, #tpu.memory_space<hbm>>, %arg3: memref<640000xi32, #tpu.memory_space<hbm>>, %arg4: memref<2x10240x128xf32, #tpu.memory_space<hbm>>, %arg5: memref<128x128xf32, #tpu.memory_space<vmem>>, %arg6: memref<128x128xf32, #tpu.memory_space<vmem>>, %arg7: memref<128xi32, #tpu.memory_space<vmem>>, %arg8: memref<128xi32, #tpu.memory_space<vmem>>, %arg9: memref<10000xi32, #tpu.memory_space<vmem>>, %arg10: memref<16xi32, #tpu.memory_space<vmem>>, %arg11: memref<128xf32, #tpu.memory_space<vmem>>, %arg12: memref<128xf32, #tpu.memory_space<vmem>>, %arg13: memref<10240x128xf32, #tpu.memory_space<vmem_shared>>, %arg14: memref<10240xf32, #tpu.memory_space<vmem_shared>>, %arg15: memref<!tpu.dma_semaphore, #tpu.memory_space<semaphore_mem>>, %arg16: memref<!tpu.dma_semaphore, #tpu.memory_space<semaphore_mem>>, %arg17: memref<!tpu.dma_semaphore, #tpu.memory_space<semaphore_mem>>, %arg18: memref<!tpu.dma_semaphore, #tpu.memory_space<semaphore_mem>>, %arg19: memref<!tpu.dma_semaphore, #tpu.memory_space<semaphore_mem>>, %arg20: memref<!tpu.dma_semaphore, #tpu.memory_space<semaphore_mem>>) attributes {dimension_semantics = [#tpu.dimension_semantics<core_parallel>, #tpu.dimension_semantics<subcore_parallel>], iteration_bounds = array<i64: 2, 16>, scalar_prefetch = 0 : i64, scratch_operands = 16 : i64, tpu.core_type = #tpu.core_type<sc_vector_subcore>, window_params = [{transform_indices = #map}, {transform_indices = #map1}, {transform_indices = #map2}]} {
    %mul3A = arith.constant 2 : i32
    %mul3A_0 = arith.muli %arg1, %mul3A : i32
    %add3A = arith.addi %mul3A_0, %arg0 : i32
    %mul3A_1 = arith.constant 640 : i32
    %mul3A_2 = arith.muli %arg1, %mul3A_1 : i32
    %mul3A_3 = arith.constant 10000 : i32
    %mul3A_4 = arith.muli %add3A, %mul3A_3 : i32
    %add3A_5 = arith.constant 320000 : i32
    %add3A_6 = arith.addi %add3A_5, %mul3A_4 : i32
    %dma_start3A = tpu.memref_slice %arg3[%mul3A_4] : memref<640000xi32, #tpu.memory_space<hbm>> -> memref<10000xi32, #tpu.memory_space<hbm>>
    %dma_start3A_7 = tpu.memref_slice %arg3[%mul3A_4] : memref<640000xi32, #tpu.memory_space<hbm>> -> memref<10000xi32, #tpu.memory_space<hbm>>
    tpu.enqueue_dma source(%dma_start3A_7 : memref<10000xi32, #tpu.memory_space<hbm>>) target(%arg9 : memref<10000xi32, #tpu.memory_space<vmem>>) target_semaphore(%arg15 : memref<!tpu.dma_semaphore, #tpu.memory_space<semaphore_mem>>)
    %scan3A = arith.constant 0 : i32
    %scan3A_8 = arith.constant 0 : i32
    %scan3A_9 = arith.constant 1024 : i32
    %scan3A_10 = arith.addi %scan3A_8, %scan3A_9 : i32
    %scan3A_11 = arith.constant 1 : i32
    %scan3A_12 = scf.for %scan3A_110 = %scan3A_8 to %scan3A_10 step %scan3A_11 iter_args(%scan3A_111 = %scan3A) -> (i32)  : i32 {
      %jit3A = arith.constant 8 : i32
      %div3A = arith.divsi %scan3A_110, %jit3A : i32
      %sign3A = arith.constant 0 : i32
      %sign3A_112 = arith.cmpi sgt, %scan3A_110, %sign3A : i32
      %sign3A_113 = arith.extui %sign3A_112 : i1 to i32
      %sign3A_114 = arith.constant 0 : i32
      %sign3A_115 = arith.cmpi slt, %scan3A_110, %sign3A_114 : i32
      %sign3A_116 = arith.extui %sign3A_115 : i1 to i32
      %sign3A_117 = arith.subi %sign3A_113, %sign3A_116 : i32
      %sign3A_118 = arith.constant 0 : i32
      %sign3A_119 = arith.cmpi sgt, %jit3A, %sign3A_118 : i32
      %sign3A_120 = arith.extui %sign3A_119 : i1 to i32
      %sign3A_121 = arith.constant 0 : i32
      %sign3A_122 = arith.cmpi slt, %jit3A, %sign3A_121 : i32
      %sign3A_123 = arith.extui %sign3A_122 : i1 to i32
      %sign3A_124 = arith.subi %sign3A_120, %sign3A_123 : i32
      %ne3A = arith.cmpi ne, %sign3A_117, %sign3A_124 : i32
      %rem3A = arith.remsi %scan3A_110, %jit3A : i32
      %ne3A_125 = arith.constant 0 : i32
      %ne3A_126 = arith.cmpi ne, %rem3A, %ne3A_125 : i32
      %and3A = arith.andi %ne3A, %ne3A_126 : i1
      %sub3A = arith.constant 1 : i32
      %sub3A_127 = arith.subi %div3A, %sub3A : i32
      %select_n3A = arith.select %and3A, %sub3A_127, %div3A : i32
      %jit3A_128 = arith.constant 8 : i32
      %eq3A = arith.constant 0 : i32
      %eq3A_129 = arith.cmpi eq, %jit3A_128, %eq3A : i32
      %jit3A_130 = arith.constant 1 : i32
      %select_n3A_131 = arith.select %eq3A_129, %jit3A_130, %jit3A_128 : i32
      %rem3A_132 = arith.remsi %scan3A_110, %select_n3A_131 : i32
      %ne3A_133 = arith.constant 0 : i32
      %ne3A_134 = arith.cmpi ne, %rem3A_132, %ne3A_133 : i32
      %lt3A = arith.constant 0 : i32
      %lt3A_135 = arith.cmpi slt, %rem3A_132, %lt3A : i32
      %lt3A_136 = arith.constant 0 : i32
      %lt3A_137 = arith.cmpi slt, %select_n3A_131, %lt3A_136 : i32
      %ne3A_138 = arith.xori %lt3A_135, %lt3A_137 : i1
      %and3A_139 = arith.andi %ne3A_138, %ne3A_134 : i1
      %add3A_140 = arith.addi %rem3A_132, %select_n3A_131 : i32
      %select_n3A_141 = arith.select %and3A_139, %add3A_140, %rem3A_132 : i32
      %mul3A_142 = arith.constant 16 : i32
      %mul3A_143 = arith.muli %select_n3A_141, %mul3A_142 : i32
      %broadcast_in_dim3A = arith.constant 0.000000e+00 : f32
      %broadcast_in_dim3A_144 = vector.broadcast %broadcast_in_dim3A : f32 to vector<16xf32>
      %swap3A = arith.index_cast %select_n3A : i32 to index
      %swap3A_145 = arith.index_cast %mul3A_143 : i32 to index
      %swap3A_146 = tpu.vector_load %arg5[%swap3A, %swap3A_145] {strides = array<i32>} : memref<128x128xf32, #tpu.memory_space<vmem>>, vector<1x16xf32>,
      %swap3A_147 = vector.shape_cast %swap3A_146 : vector<1x16xf32> to vector<16xf32>
      %swap3A_148 = vector.shape_cast %broadcast_in_dim3A_144 : vector<16xf32> to vector<1x16xf32>
      tpu.vector_store %arg5[%swap3A, %swap3A_145], %swap3A_148 {strides = array<i32>} : memref<128x128xf32, #tpu.memory_space<vmem>>, vector<1x16xf32>,
      %scan3A_149 = arith.constant 0 : i32
      scf.yield %scan3A_149 : i32
    }
    %scan3A_13 = arith.constant 1024 : i32
    %scan3A_14 = arith.constant 0 : i32
    %scan3A_15 = arith.constant 0 : i32
    %scan3A_16 = arith.constant 8 : i32
    %scan3A_17 = arith.addi %scan3A_15, %scan3A_16 : i32
    %scan3A_18 = arith.constant 1 : i32
    %scan3A_19 = scf.for %scan3A_110 = %scan3A_15 to %scan3A_17 step %scan3A_18 iter_args(%scan3A_111 = %scan3A_14) -> (i32)  : i32 {
      %broadcast_in_dim3A = arith.constant 1.000000e+00 : f32
      %broadcast_in_dim3A_112 = vector.broadcast %broadcast_in_dim3A : f32 to vector<16xf32>
      %mul3A_113 = arith.constant 16 : i32
      %mul3A_114 = arith.muli %scan3A_110, %mul3A_113 : i32
      %swap3A = arith.index_cast %mul3A_114 : i32 to index
      %swap3A_115 = tpu.vector_load %arg11[%swap3A] {strides = array<i32>} : memref<128xf32, #tpu.memory_space<vmem>>, vector<16xf32>,
      %swap3A_116 = vector.shape_cast %swap3A_115 : vector<16xf32> to vector<16xf32>
      %swap3A_117 = vector.shape_cast %broadcast_in_dim3A_112 : vector<16xf32> to vector<16xf32>
      tpu.vector_store %arg11[%swap3A], %swap3A_117 {strides = array<i32>} : memref<128xf32, #tpu.memory_space<vmem>>, vector<16xf32>,
      %broadcast_in_dim3A_118 = arith.constant 0.000000e+00 : f32
      %broadcast_in_dim3A_119 = vector.broadcast %broadcast_in_dim3A_118 : f32 to vector<16xf32>
      %mul3A_120 = arith.constant 16 : i32
      %mul3A_121 = arith.muli %scan3A_110, %mul3A_120 : i32
      %swap3A_122 = arith.index_cast %mul3A_121 : i32 to index
      %swap3A_123 = tpu.vector_load %arg12[%swap3A_122] {strides = array<i32>} : memref<128xf32, #tpu.memory_space<vmem>>, vector<16xf32>,
      %swap3A_124 = vector.shape_cast %swap3A_123 : vector<16xf32> to vector<16xf32>
      %swap3A_125 = vector.shape_cast %broadcast_in_dim3A_119 : vector<16xf32> to vector<16xf32>
      tpu.vector_store %arg12[%swap3A_122], %swap3A_125 {strides = array<i32>} : memref<128xf32, #tpu.memory_space<vmem>>, vector<16xf32>,
      %scan3A_126 = arith.constant 0 : i32
      scf.yield %scan3A_126 : i32
    }
    %scan3A_20 = arith.constant 8 : i32
    "tpu.trace_start"() <{level = 10 : i32, message = "zero_acc"}> : () -> ()
    %scan3A_21 = arith.constant 0 : i32
    %scan3A_22 = arith.constant 0 : i32
    %scan3A_23 = arith.constant 5 : i32
    %scan3A_24 = arith.addi %scan3A_22, %scan3A_23 : i32
    %scan3A_25 = arith.constant 1 : i32
    %scan3A_26 = scf.for %scan3A_110 = %scan3A_22 to %scan3A_24 step %scan3A_25 iter_args(%scan3A_111 = %scan3A_21) -> (i32)  : i32 {
      %mul3A_112 = arith.constant 128 : i32
      %mul3A_113 = arith.muli %scan3A_110, %mul3A_112 : i32
      %add3A_114 = arith.addi %mul3A_2, %mul3A_113 : i32
      "tpu.region"() ({
        %run_scoped3A = tpu.sem_alloc : memref<!tpu.dma_semaphore, #tpu.memory_space<semaphore_mem>>
        %dma_start3A_119 = arith.constant 0 : i32
        %dma_start3A_120 = tpu.memref_slice %arg13[%add3A_114, %dma_start3A_119] : memref<10240x128xf32, #tpu.memory_space<vmem_shared>> -> memref<128x128xf32, #tpu.memory_space<vmem_shared>>
        %dma_start3A_121 = arith.constant 0 : i32
        %dma_start3A_122 = tpu.memref_slice %arg13[%add3A_114, %dma_start3A_121] : memref<10240x128xf32, #tpu.memory_space<vmem_shared>> -> memref<128x128xf32, #tpu.memory_space<vmem_shared>>
        tpu.enqueue_dma source(%arg5 : memref<128x128xf32, #tpu.memory_space<vmem>>) target(%dma_start3A_122 : memref<128x128xf32, #tpu.memory_space<vmem_shared>>) target_semaphore(%run_scoped3A : memref<!tpu.dma_semaphore, #tpu.memory_space<semaphore_mem>>)
        %dma_wait3A_123 = arith.constant 0 : i32
        %dma_wait3A_124 = tpu.memref_slice %arg13[%add3A_114, %dma_wait3A_123] : memref<10240x128xf32, #tpu.memory_space<vmem_shared>> -> memref<128x128xf32, #tpu.memory_space<vmem_shared>>
        %dma_wait3A_125 = arith.constant 0 : i32
        %dma_wait3A_126 = tpu.memref_slice %arg13[%add3A_114, %dma_wait3A_125] : memref<10240x128xf32, #tpu.memory_space<vmem_shared>> -> memref<128x128xf32, #tpu.memory_space<vmem_shared>>
        tpu.wait_dma2 semaphore(%run_scoped3A : memref<!tpu.dma_semaphore, #tpu.memory_space<semaphore_mem>>) src(%arg5 : memref<128x128xf32, #tpu.memory_space<vmem>>) dst(%dma_wait3A_126 : memref<128x128xf32, #tpu.memory_space<vmem_shared>>)
        tpu.yield
      }) : () -> ()
      %mul3A_115 = arith.constant 128 : i32
      %mul3A_116 = arith.muli %scan3A_110, %mul3A_115 : i32
      %add3A_117 = arith.addi %mul3A_2, %mul3A_116 : i32
      "tpu.region"() ({
        %run_scoped3A = tpu.sem_alloc : memref<!tpu.dma_semaphore, #tpu.memory_space<semaphore_mem>>
        %dma_start3A_119 = tpu.memref_slice %arg14[%add3A_117] : memref<10240xf32, #tpu.memory_space<vmem_shared>> -> memref<128xf32, #tpu.memory_space<vmem_shared>>
        %dma_start3A_120 = tpu.memref_slice %arg14[%add3A_117] : memref<10240xf32, #tpu.memory_space<vmem_shared>> -> memref<128xf32, #tpu.memory_space<vmem_shared>>
        tpu.enqueue_dma source(%arg12 : memref<128xf32, #tpu.memory_space<vmem>>) target(%dma_start3A_120 : memref<128xf32, #tpu.memory_space<vmem_shared>>) target_semaphore(%run_scoped3A : memref<!tpu.dma_semaphore, #tpu.memory_space<semaphore_mem>>)
        %dma_wait3A_121 = tpu.memref_slice %arg14[%add3A_117] : memref<10240xf32, #tpu.memory_space<vmem_shared>> -> memref<128xf32, #tpu.memory_space<vmem_shared>>
        %dma_wait3A_122 = tpu.memref_slice %arg14[%add3A_117] : memref<10240xf32, #tpu.memory_space<vmem_shared>> -> memref<128xf32, #tpu.memory_space<vmem_shared>>
        tpu.wait_dma2 semaphore(%run_scoped3A : memref<!tpu.dma_semaphore, #tpu.memory_space<semaphore_mem>>) src(%arg12 : memref<128xf32, #tpu.memory_space<vmem>>) dst(%dma_wait3A_122 : memref<128xf32, #tpu.memory_space<vmem_shared>>)
        tpu.yield
      }) : () -> ()
      %scan3A_118 = arith.constant 0 : i32
      scf.yield %scan3A_118 : i32
    }
    %scan3A_27 = arith.constant 5 : i32
    %dma_wait3A = tpu.memref_slice %arg3[%mul3A_4] : memref<640000xi32, #tpu.memory_space<hbm>> -> memref<10000xi32, #tpu.memory_space<hbm>>
    %dma_wait3A_28 = tpu.memref_slice %arg3[%mul3A_4] : memref<640000xi32, #tpu.memory_space<hbm>> -> memref<10000xi32, #tpu.memory_space<hbm>>
    tpu.wait_dma2 semaphore(%arg15 : memref<!tpu.dma_semaphore, #tpu.memory_space<semaphore_mem>>) src(%dma_wait3A_28 : memref<10000xi32, #tpu.memory_space<hbm>>) dst(%arg9 : memref<10000xi32, #tpu.memory_space<vmem>>)
    %barrier3A = arith.constant 0 : index
    tpu.barrier barrier_id(%barrier3A)
    "tpu.trace_stop"() : () -> ()
    "tpu.trace_start"() <{level = 10 : i32, message = "edge_loop"}> : () -> ()
    %add3A_29 = arith.constant 0 : i32
    %add3A_30 = arith.addi %add3A_6, %add3A_29 : i32
    %dma_start3A_31 = tpu.memref_slice %arg3[%add3A_30] : memref<640000xi32, #tpu.memory_space<hbm>> -> memref<128xi32, #tpu.memory_space<hbm>>
    %dma_start3A_32 = tpu.memref_slice %arg3[%add3A_30] : memref<640000xi32, #tpu.memory_space<hbm>> -> memref<128xi32, #tpu.memory_space<hbm>>
    tpu.enqueue_dma source(%dma_start3A_32 : memref<128xi32, #tpu.memory_space<hbm>>) target(%arg7 : memref<128xi32, #tpu.memory_space<vmem>>) target_semaphore(%arg17 : memref<!tpu.dma_semaphore, #tpu.memory_space<semaphore_mem>>)
    %dma_start3A_33 = arith.constant 0 : i32
    %dma_start3A_34 = tpu.memref_slice %arg9[%dma_start3A_33] : memref<10000xi32, #tpu.memory_space<vmem>> -> memref<128xi32, #tpu.memory_space<vmem>>
    %dma_start3A_35 = arith.constant 0 : i32
    %dma_start3A_36 = arith.constant 0 : i32
    %dma_start3A_37 = tpu.memref_slice %arg2[%dma_start3A_35, %dma_start3A_36] : memref<10000x128xf32, #tpu.memory_space<hbm>> -> memref<10000x128xf32, #tpu.memory_space<hbm>>
    tpu.enqueue_indirect_dma source(%dma_start3A_37 : memref<10000x128xf32, #tpu.memory_space<hbm>>) target(%arg5 : memref<128x128xf32, #tpu.memory_space<vmem>>) offsets(%dma_start3A_34 : memref<128xi32, #tpu.memory_space<vmem>>) semaphore(%arg15 : memref<!tpu.dma_semaphore, #tpu.memory_space<semaphore_mem>>)
    %add3A_38 = arith.constant 128 : i32
    %add3A_39 = arith.addi %add3A_6, %add3A_38 : i32
    %dma_start3A_40 = tpu.memref_slice %arg3[%add3A_39] : memref<640000xi32, #tpu.memory_space<hbm>> -> memref<128xi32, #tpu.memory_space<hbm>>
    %dma_start3A_41 = tpu.memref_slice %arg3[%add3A_39] : memref<640000xi32, #tpu.memory_space<hbm>> -> memref<128xi32, #tpu.memory_space<hbm>>
    tpu.enqueue_dma source(%dma_start3A_41 : memref<128xi32, #tpu.memory_space<hbm>>) target(%arg8 : memref<128xi32, #tpu.memory_space<vmem>>) target_semaphore(%arg18 : memref<!tpu.dma_semaphore, #tpu.memory_space<semaphore_mem>>)
    %dma_start3A_42 = arith.constant 128 : i32
    %dma_start3A_43 = tpu.memref_slice %arg9[%dma_start3A_42] : memref<10000xi32, #tpu.memory_space<vmem>> -> memref<128xi32, #tpu.memory_space<vmem>>
    %dma_start3A_44 = arith.constant 0 : i32
    %dma_start3A_45 = arith.constant 0 : i32
    %dma_start3A_46 = tpu.memref_slice %arg2[%dma_start3A_44, %dma_start3A_45] : memref<10000x128xf32, #tpu.memory_space<hbm>> -> memref<10000x128xf32, #tpu.memory_space<hbm>>
    tpu.enqueue_indirect_dma source(%dma_start3A_46 : memref<10000x128xf32, #tpu.memory_space<hbm>>) target(%arg6 : memref<128x128xf32, #tpu.memory_space<vmem>>) offsets(%dma_start3A_43 : memref<128xi32, #tpu.memory_space<vmem>>) semaphore(%arg16 : memref<!tpu.dma_semaphore, #tpu.memory_space<semaphore_mem>>)
    %scan3A_47 = arith.constant 0 : i32
    %scan3A_48 = arith.constant 0 : i32
    %scan3A_49 = arith.constant 38 : i32
    %scan3A_50 = arith.addi %scan3A_48, %scan3A_49 : i32
    %scan3A_51 = arith.constant 1 : i32
    %scan3A_52 = scf.for %scan3A_110 = %scan3A_48 to %scan3A_50 step %scan3A_51 iter_args(%scan3A_111 = %scan3A_47) -> (i32)  : i32 {
      %mul3A_112 = arith.constant 2 : i32
      %mul3A_113 = arith.muli %scan3A_110, %mul3A_112 : i32
      %add3A_114 = arith.constant 0 : i32
      %add3A_115 = arith.addi %mul3A_113, %add3A_114 : i32
      %mul3A_116 = arith.constant 128 : i32
      %mul3A_117 = arith.muli %add3A_115, %mul3A_116 : i32
      %add3A_118 = arith.addi %add3A_6, %mul3A_117 : i32
      %dma_wait3A_119 = tpu.memref_slice %arg3[%add3A_118] : memref<640000xi32, #tpu.memory_space<hbm>> -> memref<128xi32, #tpu.memory_space<hbm>>
      %dma_wait3A_120 = tpu.memref_slice %arg3[%add3A_118] : memref<640000xi32, #tpu.memory_space<hbm>> -> memref<128xi32, #tpu.memory_space<hbm>>
      tpu.wait_dma2 semaphore(%arg17 : memref<!tpu.dma_semaphore, #tpu.memory_space<semaphore_mem>>) src(%dma_wait3A_120 : memref<128xi32, #tpu.memory_space<hbm>>) dst(%arg7 : memref<128xi32, #tpu.memory_space<vmem>>)
      %mul3A_121 = arith.constant 128 : i32
      %mul3A_122 = arith.muli %add3A_115, %mul3A_121 : i32
      %dma_wait3A_123 = tpu.memref_slice %arg9[%mul3A_122] : memref<10000xi32, #tpu.memory_space<vmem>> -> memref<128xi32, #tpu.memory_space<vmem>>
      %dma_wait3A_124 = arith.constant 0 : i32
      %dma_wait3A_125 = arith.constant 0 : i32
      %dma_wait3A_126 = tpu.memref_slice %arg2[%dma_wait3A_124, %dma_wait3A_125] : memref<10000x128xf32, #tpu.memory_space<hbm>> -> memref<10000x128xf32, #tpu.memory_space<hbm>>
      tpu.wait_indirect_dma semaphore(%arg15 : memref<!tpu.dma_semaphore, #tpu.memory_space<semaphore_mem>>) src(%dma_wait3A_126 : memref<10000x128xf32, #tpu.memory_space<hbm>>) dst(%arg5 : memref<128x128xf32, #tpu.memory_space<vmem>>)
      %dma_start3A_127 = arith.constant 0 : i32
      %dma_start3A_128 = arith.constant 0 : i32
      %dma_start3A_129 = tpu.memref_slice %arg13[%dma_start3A_127, %dma_start3A_128] : memref<10240x128xf32, #tpu.memory_space<vmem_shared>> -> memref<10240x128xf32, #tpu.memory_space<vmem_shared>>
      tpu.enqueue_indirect_dma source(%arg5 : memref<128x128xf32, #tpu.memory_space<vmem>>) target(%dma_start3A_129 : memref<10240x128xf32, #tpu.memory_space<vmem_shared>>) offsets(%arg7 : memref<128xi32, #tpu.memory_space<vmem>>) semaphore(%arg19 : memref<!tpu.dma_semaphore, #tpu.memory_space<semaphore_mem>>) {add = true}
      %dma_wait3A_130 = arith.constant 0 : i32
      %dma_wait3A_131 = arith.constant 0 : i32
      %dma_wait3A_132 = tpu.memref_slice %arg13[%dma_wait3A_130, %dma_wait3A_131] : memref<10240x128xf32, #tpu.memory_space<vmem_shared>> -> memref<10240x128xf32, #tpu.memory_space<vmem_shared>>
      tpu.wait_indirect_dma semaphore(%arg19 : memref<!tpu.dma_semaphore, #tpu.memory_space<semaphore_mem>>) src(%arg5 : memref<128x128xf32, #tpu.memory_space<vmem>>) dst(%dma_wait3A_132 : memref<10240x128xf32, #tpu.memory_space<vmem_shared>>)
      %add3A_133 = arith.constant 2 : i32
      %add3A_134 = arith.addi %add3A_115, %add3A_133 : i32
      %mul3A_135 = arith.constant 128 : i32
      %mul3A_136 = arith.muli %add3A_134, %mul3A_135 : i32
      %add3A_137 = arith.addi %add3A_6, %mul3A_136 : i32
      %dma_start3A_138 = tpu.memref_slice %arg3[%add3A_137] : memref<640000xi32, #tpu.memory_space<hbm>> -> memref<128xi32, #tpu.memory_space<hbm>>
      %dma_start3A_139 = tpu.memref_slice %arg3[%add3A_137] : memref<640000xi32, #tpu.memory_space<hbm>> -> memref<128xi32, #tpu.memory_space<hbm>>
      tpu.enqueue_dma source(%dma_start3A_139 : memref<128xi32, #tpu.memory_space<hbm>>) target(%arg7 : memref<128xi32, #tpu.memory_space<vmem>>) target_semaphore(%arg17 : memref<!tpu.dma_semaphore, #tpu.memory_space<semaphore_mem>>)
      %mul3A_140 = arith.constant 128 : i32
      %mul3A_141 = arith.muli %add3A_134, %mul3A_140 : i32
      %dma_start3A_142 = tpu.memref_slice %arg9[%mul3A_141] : memref<10000xi32, #tpu.memory_space<vmem>> -> memref<128xi32, #tpu.memory_space<vmem>>
      %dma_start3A_143 = arith.constant 0 : i32
      %dma_start3A_144 = arith.constant 0 : i32
      %dma_start3A_145 = tpu.memref_slice %arg2[%dma_start3A_143, %dma_start3A_144] : memref<10000x128xf32, #tpu.memory_space<hbm>> -> memref<10000x128xf32, #tpu.memory_space<hbm>>
      tpu.enqueue_indirect_dma source(%dma_start3A_145 : memref<10000x128xf32, #tpu.memory_space<hbm>>) target(%arg5 : memref<128x128xf32, #tpu.memory_space<vmem>>) offsets(%dma_start3A_142 : memref<128xi32, #tpu.memory_space<vmem>>) semaphore(%arg15 : memref<!tpu.dma_semaphore, #tpu.memory_space<semaphore_mem>>)
      %mul3A_146 = arith.constant 2 : i32
      %mul3A_147 = arith.muli %scan3A_110, %mul3A_146 : i32
      %add3A_148 = arith.constant 1 : i32
      %add3A_149 = arith.addi %mul3A_147, %add3A_148 : i32
      %mul3A_150 = arith.constant 128 : i32
      %mul3A_151 = arith.muli %add3A_149, %mul3A_150 : i32
      %add3A_152 = arith.addi %add3A_6, %mul3A_151 : i32
      %dma_wait3A_153 = tpu.memref_slice %arg3[%add3A_152] : memref<640000xi32, #tpu.memory_space<hbm>> -> memref<128xi32, #tpu.memory_space<hbm>>
      %dma_wait3A_154 = tpu.memref_slice %arg3[%add3A_152] : memref<640000xi32, #tpu.memory_space<hbm>> -> memref<128xi32, #tpu.memory_space<hbm>>
      tpu.wait_dma2 semaphore(%arg18 : memref<!tpu.dma_semaphore, #tpu.memory_space<semaphore_mem>>) src(%dma_wait3A_154 : memref<128xi32, #tpu.memory_space<hbm>>) dst(%arg8 : memref<128xi32, #tpu.memory_space<vmem>>)
      %mul3A_155 = arith.constant 128 : i32
      %mul3A_156 = arith.muli %add3A_149, %mul3A_155 : i32
      %dma_wait3A_157 = tpu.memref_slice %arg9[%mul3A_156] : memref<10000xi32, #tpu.memory_space<vmem>> -> memref<128xi32, #tpu.memory_space<vmem>>
      %dma_wait3A_158 = arith.constant 0 : i32
      %dma_wait3A_159 = arith.constant 0 : i32
      %dma_wait3A_160 = tpu.memref_slice %arg2[%dma_wait3A_158, %dma_wait3A_159] : memref<10000x128xf32, #tpu.memory_space<hbm>> -> memref<10000x128xf32, #tpu.memory_space<hbm>>
      tpu.wait_indirect_dma semaphore(%arg16 : memref<!tpu.dma_semaphore, #tpu.memory_space<semaphore_mem>>) src(%dma_wait3A_160 : memref<10000x128xf32, #tpu.memory_space<hbm>>) dst(%arg6 : memref<128x128xf32, #tpu.memory_space<vmem>>)
      %dma_start3A_161 = arith.constant 0 : i32
      %dma_start3A_162 = arith.constant 0 : i32
      %dma_start3A_163 = tpu.memref_slice %arg13[%dma_start3A_161, %dma_start3A_162] : memref<10240x128xf32, #tpu.memory_space<vmem_shared>> -> memref<10240x128xf32, #tpu.memory_space<vmem_shared>>
      tpu.enqueue_indirect_dma source(%arg6 : memref<128x128xf32, #tpu.memory_space<vmem>>) target(%dma_start3A_163 : memref<10240x128xf32, #tpu.memory_space<vmem_shared>>) offsets(%arg8 : memref<128xi32, #tpu.memory_space<vmem>>) semaphore(%arg19 : memref<!tpu.dma_semaphore, #tpu.memory_space<semaphore_mem>>) {add = true}
      %dma_wait3A_164 = arith.constant 0 : i32
      %dma_wait3A_165 = arith.constant 0 : i32
      %dma_wait3A_166 = tpu.memref_slice %arg13[%dma_wait3A_164, %dma_wait3A_165] : memref<10240x128xf32, #tpu.memory_space<vmem_shared>> -> memref<10240x128xf32, #tpu.memory_space<vmem_shared>>
      tpu.wait_indirect_dma semaphore(%arg19 : memref<!tpu.dma_semaphore, #tpu.memory_space<semaphore_mem>>) src(%arg6 : memref<128x128xf32, #tpu.memory_space<vmem>>) dst(%dma_wait3A_166 : memref<10240x128xf32, #tpu.memory_space<vmem_shared>>)
      %add3A_167 = arith.constant 2 : i32
      %add3A_168 = arith.addi %add3A_149, %add3A_167 : i32
      %mul3A_169 = arith.constant 128 : i32
      %mul3A_170 = arith.muli %add3A_168, %mul3A_169 : i32
      %add3A_171 = arith.addi %add3A_6, %mul3A_170 : i32
      %dma_start3A_172 = tpu.memref_slice %arg3[%add3A_171] : memref<640000xi32, #tpu.memory_space<hbm>> -> memref<128xi32, #tpu.memory_space<hbm>>
      %dma_start3A_173 = tpu.memref_slice %arg3[%add3A_171] : memref<640000xi32, #tpu.memory_space<hbm>> -> memref<128xi32, #tpu.memory_space<hbm>>
      tpu.enqueue_dma source(%dma_start3A_173 : memref<128xi32, #tpu.memory_space<hbm>>) target(%arg8 : memref<128xi32, #tpu.memory_space<vmem>>) target_semaphore(%arg18 : memref<!tpu.dma_semaphore, #tpu.memory_space<semaphore_mem>>)
      %mul3A_174 = arith.constant 128 : i32
      %mul3A_175 = arith.muli %add3A_168, %mul3A_174 : i32
      %dma_start3A_176 = tpu.memref_slice %arg9[%mul3A_175] : memref<10000xi32, #tpu.memory_space<vmem>> -> memref<128xi32, #tpu.memory_space<vmem>>
      %dma_start3A_177 = arith.constant 0 : i32
      %dma_start3A_178 = arith.constant 0 : i32
      %dma_start3A_179 = tpu.memref_slice %arg2[%dma_start3A_177, %dma_start3A_178] : memref<10000x128xf32, #tpu.memory_space<hbm>> -> memref<10000x128xf32, #tpu.memory_space<hbm>>
      tpu.enqueue_indirect_dma source(%dma_start3A_179 : memref<10000x128xf32, #tpu.memory_space<hbm>>) target(%arg6 : memref<128x128xf32, #tpu.memory_space<vmem>>) offsets(%dma_start3A_176 : memref<128xi32, #tpu.memory_space<vmem>>) semaphore(%arg16 : memref<!tpu.dma_semaphore, #tpu.memory_space<semaphore_mem>>)
      %scan3A_180 = arith.constant 0 : i32
      scf.yield %scan3A_180 : i32
    }
    %scan3A_53 = arith.constant 38 : i32
    %add3A_54 = arith.constant 9728 : i32
    %add3A_55 = arith.addi %add3A_6, %add3A_54 : i32
    %dma_wait3A_56 = tpu.memref_slice %arg3[%add3A_55] : memref<640000xi32, #tpu.memory_space<hbm>> -> memref<128xi32, #tpu.memory_space<hbm>>
    %dma_wait3A_57 = tpu.memref_slice %arg3[%add3A_55] : memref<640000xi32, #tpu.memory_space<hbm>> -> memref<128xi32, #tpu.memory_space<hbm>>
    tpu.wait_dma2 semaphore(%arg17 : memref<!tpu.dma_semaphore, #tpu.memory_space<semaphore_mem>>) src(%dma_wait3A_57 : memref<128xi32, #tpu.memory_space<hbm>>) dst(%arg7 : memref<128xi32, #tpu.memory_space<vmem>>)
    %dma_wait3A_58 = arith.constant 9728 : i32
    %dma_wait3A_59 = tpu.memref_slice %arg9[%dma_wait3A_58] : memref<10000xi32, #tpu.memory_space<vmem>> -> memref<128xi32, #tpu.memory_space<vmem>>
    %dma_wait3A_60 = arith.constant 0 : i32
    %dma_wait3A_61 = arith.constant 0 : i32
    %dma_wait3A_62 = tpu.memref_slice %arg2[%dma_wait3A_60, %dma_wait3A_61] : memref<10000x128xf32, #tpu.memory_space<hbm>> -> memref<10000x128xf32, #tpu.memory_space<hbm>>
    tpu.wait_indirect_dma semaphore(%arg15 : memref<!tpu.dma_semaphore, #tpu.memory_space<semaphore_mem>>) src(%dma_wait3A_62 : memref<10000x128xf32, #tpu.memory_space<hbm>>) dst(%arg5 : memref<128x128xf32, #tpu.memory_space<vmem>>)
    %dma_start3A_63 = arith.constant 0 : i32
    %dma_start3A_64 = arith.constant 0 : i32
    %dma_start3A_65 = tpu.memref_slice %arg13[%dma_start3A_63, %dma_start3A_64] : memref<10240x128xf32, #tpu.memory_space<vmem_shared>> -> memref<10240x128xf32, #tpu.memory_space<vmem_shared>>
    tpu.enqueue_indirect_dma source(%arg5 : memref<128x128xf32, #tpu.memory_space<vmem>>) target(%dma_start3A_65 : memref<10240x128xf32, #tpu.memory_space<vmem_shared>>) offsets(%arg7 : memref<128xi32, #tpu.memory_space<vmem>>) semaphore(%arg19 : memref<!tpu.dma_semaphore, #tpu.memory_space<semaphore_mem>>) {add = true}
    %dma_wait3A_66 = arith.constant 0 : i32
    %dma_wait3A_67 = arith.constant 0 : i32
    %dma_wait3A_68 = tpu.memref_slice %arg13[%dma_wait3A_66, %dma_wait3A_67] : memref<10240x128xf32, #tpu.memory_space<vmem_shared>> -> memref<10240x128xf32, #tpu.memory_space<vmem_shared>>
    tpu.wait_indirect_dma semaphore(%arg19 : memref<!tpu.dma_semaphore, #tpu.memory_space<semaphore_mem>>) src(%arg5 : memref<128x128xf32, #tpu.memory_space<vmem>>) dst(%dma_wait3A_68 : memref<10240x128xf32, #tpu.memory_space<vmem_shared>>)
    %add3A_69 = arith.constant 9856 : i32
    %add3A_70 = arith.addi %add3A_6, %add3A_69 : i32
    %dma_wait3A_71 = tpu.memref_slice %arg3[%add3A_70] : memref<640000xi32, #tpu.memory_space<hbm>> -> memref<128xi32, #tpu.memory_space<hbm>>
    %dma_wait3A_72 = tpu.memref_slice %arg3[%add3A_70] : memref<640000xi32, #tpu.memory_space<hbm>> -> memref<128xi32, #tpu.memory_space<hbm>>
    tpu.wait_dma2 semaphore(%arg18 : memref<!tpu.dma_semaphore, #tpu.memory_space<semaphore_mem>>) src(%dma_wait3A_72 : memref<128xi32, #tpu.memory_space<hbm>>) dst(%arg8 : memref<128xi32, #tpu.memory_space<vmem>>)
    %dma_wait3A_73 = arith.constant 9856 : i32
    %dma_wait3A_74 = tpu.memref_slice %arg9[%dma_wait3A_73] : memref<10000xi32, #tpu.memory_space<vmem>> -> memref<128xi32, #tpu.memory_space<vmem>>
    %dma_wait3A_75 = arith.constant 0 : i32
    %dma_wait3A_76 = arith.constant 0 : i32
    %dma_wait3A_77 = tpu.memref_slice %arg2[%dma_wait3A_75, %dma_wait3A_76] : memref<10000x128xf32, #tpu.memory_space<hbm>> -> memref<10000x128xf32, #tpu.memory_space<hbm>>
    tpu.wait_indirect_dma semaphore(%arg16 : memref<!tpu.dma_semaphore, #tpu.memory_space<semaphore_mem>>) src(%dma_wait3A_77 : memref<10000x128xf32, #tpu.memory_space<hbm>>) dst(%arg6 : memref<128x128xf32, #tpu.memory_space<vmem>>)
    %dma_start3A_78 = arith.constant 0 : i32
    %dma_start3A_79 = arith.constant 0 : i32
    %dma_start3A_80 = tpu.memref_slice %arg13[%dma_start3A_78, %dma_start3A_79] : memref<10240x128xf32, #tpu.memory_space<vmem_shared>> -> memref<10240x128xf32, #tpu.memory_space<vmem_shared>>
    tpu.enqueue_indirect_dma source(%arg6 : memref<128x128xf32, #tpu.memory_space<vmem>>) target(%dma_start3A_80 : memref<10240x128xf32, #tpu.memory_space<vmem_shared>>) offsets(%arg8 : memref<128xi32, #tpu.memory_space<vmem>>) semaphore(%arg19 : memref<!tpu.dma_semaphore, #tpu.memory_space<semaphore_mem>>) {add = true}
    %dma_wait3A_81 = arith.constant 0 : i32
    %dma_wait3A_82 = arith.constant 0 : i32
    %dma_wait3A_83 = tpu.memref_slice %arg13[%dma_wait3A_81, %dma_wait3A_82] : memref<10240x128xf32, #tpu.memory_space<vmem_shared>> -> memref<10240x128xf32, #tpu.memory_space<vmem_shared>>
    tpu.wait_indirect_dma semaphore(%arg19 : memref<!tpu.dma_semaphore, #tpu.memory_space<semaphore_mem>>) src(%arg6 : memref<128x128xf32, #tpu.memory_space<vmem>>) dst(%dma_wait3A_83 : memref<10240x128xf32, #tpu.memory_space<vmem_shared>>)
    %add3A_84 = arith.constant 9984 : i32
    %add3A_85 = arith.addi %add3A_6, %add3A_84 : i32
    "tpu.region"() ({
      %run_scoped3A = tpu.sem_alloc : memref<!tpu.dma_semaphore, #tpu.memory_space<semaphore_mem>>
      %dma_start3A_110 = tpu.memref_slice %arg3[%add3A_85] : memref<640000xi32, #tpu.memory_space<hbm>> -> memref<16xi32, #tpu.memory_space<hbm>>
      %dma_start3A_111 = tpu.memref_slice %arg3[%add3A_85] : memref<640000xi32, #tpu.memory_space<hbm>> -> memref<16xi32, #tpu.memory_space<hbm>>
      tpu.enqueue_dma source(%dma_start3A_111 : memref<16xi32, #tpu.memory_space<hbm>>) target(%arg10 : memref<16xi32, #tpu.memory_space<vmem>>) target_semaphore(%run_scoped3A : memref<!tpu.dma_semaphore, #tpu.memory_space<semaphore_mem>>)
      %dma_wait3A_112 = tpu.memref_slice %arg3[%add3A_85] : memref<640000xi32, #tpu.memory_space<hbm>> -> memref<16xi32, #tpu.memory_space<hbm>>
      %dma_wait3A_113 = tpu.memref_slice %arg3[%add3A_85] : memref<640000xi32, #tpu.memory_space<hbm>> -> memref<16xi32, #tpu.memory_space<hbm>>
      tpu.wait_dma2 semaphore(%run_scoped3A : memref<!tpu.dma_semaphore, #tpu.memory_space<semaphore_mem>>) src(%dma_wait3A_113 : memref<16xi32, #tpu.memory_space<hbm>>) dst(%arg10 : memref<16xi32, #tpu.memory_space<vmem>>)
      tpu.yield
    }) : () -> ()
    %dma_start3A_86 = arith.constant 0 : i32
    %dma_start3A_87 = arith.constant 0 : i32
    %dma_start3A_88 = tpu.memref_slice %arg5[%dma_start3A_86, %dma_start3A_87] : memref<128x128xf32, #tpu.memory_space<vmem>> -> memref<16x128xf32, #tpu.memory_space<vmem>>
    %dma_start3A_89 = arith.constant 9984 : i32
    %dma_start3A_90 = tpu.memref_slice %arg9[%dma_start3A_89] : memref<10000xi32, #tpu.memory_space<vmem>> -> memref<16xi32, #tpu.memory_space<vmem>>
    %dma_start3A_91 = arith.constant 0 : i32
    %dma_start3A_92 = arith.constant 0 : i32
    %dma_start3A_93 = tpu.memref_slice %arg2[%dma_start3A_91, %dma_start3A_92] : memref<10000x128xf32, #tpu.memory_space<hbm>> -> memref<10000x128xf32, #tpu.memory_space<hbm>>
    tpu.enqueue_indirect_dma source(%dma_start3A_93 : memref<10000x128xf32, #tpu.memory_space<hbm>>) target(%dma_start3A_88 : memref<16x128xf32, #tpu.memory_space<vmem>>) offsets(%dma_start3A_90 : memref<16xi32, #tpu.memory_space<vmem>>) semaphore(%arg15 : memref<!tpu.dma_semaphore, #tpu.memory_space<semaphore_mem>>)
    %dma_wait3A_94 = arith.constant 0 : i32
    %dma_wait3A_95 = arith.constant 0 : i32
    %dma_wait3A_96 = tpu.memref_slice %arg5[%dma_wait3A_94, %dma_wait3A_95] : memref<128x128xf32, #tpu.memory_space<vmem>> -> memref<16x128xf32, #tpu.memory_space<vmem>>
    %dma_wait3A_97 = arith.constant 9984 : i32
    %dma_wait3A_98 = tpu.memref_slice %arg9[%dma_wait3A_97] : memref<10000xi32, #tpu.memory_space<vmem>> -> memref<16xi32, #tpu.memory_space<vmem>>
    %dma_wait3A_99 = arith.constant 0 : i32
    %dma_wait3A_100 = arith.constant 0 : i32
    %dma_wait3A_101 = tpu.memref_slice %arg2[%dma_wait3A_99, %dma_wait3A_100] : memref<10000x128xf32, #tpu.memory_space<hbm>> -> memref<10000x128xf32, #tpu.memory_space<hbm>>
    tpu.wait_indirect_dma semaphore(%arg15 : memref<!tpu.dma_semaphore, #tpu.memory_space<semaphore_mem>>) src(%dma_wait3A_101 : memref<10000x128xf32, #tpu.memory_space<hbm>>) dst(%dma_wait3A_96 : memref<16x128xf32, #tpu.memory_space<vmem>>)
    "tpu.region"() ({
      %run_scoped3A = tpu.sem_alloc : memref<!tpu.dma_semaphore, #tpu.memory_space<semaphore_mem>>
      %dma_start3A_110 = arith.constant 0 : i32
      %dma_start3A_111 = arith.constant 0 : i32
      %dma_start3A_112 = tpu.memref_slice %arg5[%dma_start3A_110, %dma_start3A_111] : memref<128x128xf32, #tpu.memory_space<vmem>> -> memref<16x128xf32, #tpu.memory_space<vmem>>
      %dma_start3A_113 = arith.constant 0 : i32
      %dma_start3A_114 = arith.constant 0 : i32
      %dma_start3A_115 = tpu.memref_slice %arg13[%dma_start3A_113, %dma_start3A_114] : memref<10240x128xf32, #tpu.memory_space<vmem_shared>> -> memref<10240x128xf32, #tpu.memory_space<vmem_shared>>
      tpu.enqueue_indirect_dma source(%dma_start3A_112 : memref<16x128xf32, #tpu.memory_space<vmem>>) target(%dma_start3A_115 : memref<10240x128xf32, #tpu.memory_space<vmem_shared>>) offsets(%arg10 : memref<16xi32, #tpu.memory_space<vmem>>) semaphore(%run_scoped3A : memref<!tpu.dma_semaphore, #tpu.memory_space<semaphore_mem>>) {add = true}
      %dma_wait3A_116 = arith.constant 0 : i32
      %dma_wait3A_117 = arith.constant 0 : i32
      %dma_wait3A_118 = tpu.memref_slice %arg5[%dma_wait3A_116, %dma_wait3A_117] : memref<128x128xf32, #tpu.memory_space<vmem>> -> memref<16x128xf32, #tpu.memory_space<vmem>>
      %dma_wait3A_119 = arith.constant 0 : i32
      %dma_wait3A_120 = arith.constant 0 : i32
      %dma_wait3A_121 = tpu.memref_slice %arg13[%dma_wait3A_119, %dma_wait3A_120] : memref<10240x128xf32, #tpu.memory_space<vmem_shared>> -> memref<10240x128xf32, #tpu.memory_space<vmem_shared>>
      tpu.wait_indirect_dma semaphore(%run_scoped3A : memref<!tpu.dma_semaphore, #tpu.memory_space<semaphore_mem>>) src(%dma_wait3A_118 : memref<16x128xf32, #tpu.memory_space<vmem>>) dst(%dma_wait3A_121 : memref<10240x128xf32, #tpu.memory_space<vmem_shared>>)
      tpu.yield
    }) : () -> ()
    %barrier3A_102 = arith.constant 0 : index
    tpu.barrier barrier_id(%barrier3A_102)
    "tpu.trace_stop"() : () -> ()
    "tpu.trace_start"() <{level = 10 : i32, message = "writeback"}> : () -> ()
    %scan3A_103 = arith.constant 0 : i32
    %scan3A_104 = arith.constant 0 : i32
    %scan3A_105 = arith.constant 5 : i32
    %scan3A_106 = arith.addi %scan3A_104, %scan3A_105 : i32
    %scan3A_107 = arith.constant 1 : i32
    %scan3A_108 = scf.for %scan3A_110 = %scan3A_104 to %scan3A_106 step %scan3A_107 iter_args(%scan3A_111 = %scan3A_103) -> (i32)  : i32 {
      %mul3A_112 = arith.constant 128 : i32
      %mul3A_113 = arith.muli %scan3A_110, %mul3A_112 : i32
      %add3A_114 = arith.addi %mul3A_2, %mul3A_113 : i32
      "tpu.region"() ({
        %run_scoped3A = tpu.sem_alloc : memref<!tpu.dma_semaphore, #tpu.memory_space<semaphore_mem>>
        %dma_start3A_116 = arith.constant 0 : i32
        %dma_start3A_117 = tpu.memref_slice %arg13[%add3A_114, %dma_start3A_116] : memref<10240x128xf32, #tpu.memory_space<vmem_shared>> -> memref<128x128xf32, #tpu.memory_space<vmem_shared>>
        %dma_start3A_118 = arith.constant 0 : i32
        %dma_start3A_119 = tpu.memref_slice %arg13[%add3A_114, %dma_start3A_118] : memref<10240x128xf32, #tpu.memory_space<vmem_shared>> -> memref<128x128xf32, #tpu.memory_space<vmem_shared>>
        tpu.enqueue_dma source(%dma_start3A_119 : memref<128x128xf32, #tpu.memory_space<vmem_shared>>) target(%arg5 : memref<128x128xf32, #tpu.memory_space<vmem>>) target_semaphore(%run_scoped3A : memref<!tpu.dma_semaphore, #tpu.memory_space<semaphore_mem>>)
        %dma_wait3A_120 = arith.constant 0 : i32
        %dma_wait3A_121 = tpu.memref_slice %arg13[%add3A_114, %dma_wait3A_120] : memref<10240x128xf32, #tpu.memory_space<vmem_shared>> -> memref<128x128xf32, #tpu.memory_space<vmem_shared>>
        %dma_wait3A_122 = arith.constant 0 : i32
        %dma_wait3A_123 = tpu.memref_slice %arg13[%add3A_114, %dma_wait3A_122] : memref<10240x128xf32, #tpu.memory_space<vmem_shared>> -> memref<128x128xf32, #tpu.memory_space<vmem_shared>>
        tpu.wait_dma2 semaphore(%run_scoped3A : memref<!tpu.dma_semaphore, #tpu.memory_space<semaphore_mem>>) src(%dma_wait3A_123 : memref<128x128xf32, #tpu.memory_space<vmem_shared>>) dst(%arg5 : memref<128x128xf32, #tpu.memory_space<vmem>>)
        tpu.yield
      }) : () -> ()
      "tpu.region"() ({
        %run_scoped3A = tpu.sem_alloc : memref<!tpu.dma_semaphore, #tpu.memory_space<semaphore_mem>>
        %dma_start3A_116 = arith.constant 0 : i32
        %dma_start3A_117 = tpu.memref_slice %arg4[%arg0, %add3A_114, %dma_start3A_116] : memref<2x10240x128xf32, #tpu.memory_space<hbm>> -> memref<1x128x128xf32, #tpu.memory_space<hbm>>
        %dma_start3A_118 = tpu.memref_squeeze %dma_start3A_117 : memref<1x128x128xf32, #tpu.memory_space<hbm>> -> memref<128x128xf32, #tpu.memory_space<hbm>>
        %dma_start3A_119 = arith.constant 0 : i32
        %dma_start3A_120 = tpu.memref_slice %arg4[%arg0, %add3A_114, %dma_start3A_119] : memref<2x10240x128xf32, #tpu.memory_space<hbm>> -> memref<1x128x128xf32, #tpu.memory_space<hbm>>
        %dma_start3A_121 = tpu.memref_squeeze %dma_start3A_120 : memref<1x128x128xf32, #tpu.memory_space<hbm>> -> memref<128x128xf32, #tpu.memory_space<hbm>>
        tpu.enqueue_dma source(%arg5 : memref<128x128xf32, #tpu.memory_space<vmem>>) target(%dma_start3A_121 : memref<128x128xf32, #tpu.memory_space<hbm>>) target_semaphore(%run_scoped3A : memref<!tpu.dma_semaphore, #tpu.memory_space<semaphore_mem>>)
        %dma_wait3A_122 = arith.constant 0 : i32
        %dma_wait3A_123 = tpu.memref_slice %arg4[%arg0, %add3A_114, %dma_wait3A_122] : memref<2x10240x128xf32, #tpu.memory_space<hbm>> -> memref<1x128x128xf32, #tpu.memory_space<hbm>>
        %dma_wait3A_124 = tpu.memref_squeeze %dma_wait3A_123 : memref<1x128x128xf32, #tpu.memory_space<hbm>> -> memref<128x128xf32, #tpu.memory_space<hbm>>
        %dma_wait3A_125 = arith.constant 0 : i32
        %dma_wait3A_126 = tpu.memref_slice %arg4[%arg0, %add3A_114, %dma_wait3A_125] : memref<2x10240x128xf32, #tpu.memory_space<hbm>> -> memref<1x128x128xf32, #tpu.memory_space<hbm>>
        %dma_wait3A_127 = tpu.memref_squeeze %dma_wait3A_126 : memref<1x128x128xf32, #tpu.memory_space<hbm>> -> memref<128x128xf32, #tpu.memory_space<hbm>>
        tpu.wait_dma2 semaphore(%run_scoped3A : memref<!tpu.dma_semaphore, #tpu.memory_space<semaphore_mem>>) src(%arg5 : memref<128x128xf32, #tpu.memory_space<vmem>>) dst(%dma_wait3A_127 : memref<128x128xf32, #tpu.memory_space<hbm>>)
        tpu.yield
      }) : () -> ()
      %scan3A_115 = arith.constant 0 : i32
      scf.yield %scan3A_115 : i32
    }
    %scan3A_109 = arith.constant 5 : i32
    "tpu.trace_stop"() : () -> ()
    return
  }
}

#map = affine_map<(d0, d1) -> (0, 0)>
#map1 = affine_map<(d0, d1) -> (0)>
#map2 = affine_map<(d0, d1) -> (0, 0, 0)>
module attributes {stable_mosaic.version = 14 : i64} {
  func.func @body(%arg0: i32, %arg1: i32, %arg2: memref<10000x128xf32, #tpu.memory_space<hbm>>, %arg3: memref<640000xi32, #tpu.memory_space<hbm>>, %arg4: memref<2x10240x128xf32, #tpu.memory_space<hbm>>, %arg5: memref<2x10240xf32, #tpu.memory_space<hbm>>, %arg6: memref<128x128xf32, #tpu.memory_space<vmem>>, %arg7: memref<128x128xf32, #tpu.memory_space<vmem>>, %arg8: memref<128xi32, #tpu.memory_space<vmem>>, %arg9: memref<128xi32, #tpu.memory_space<vmem>>, %arg10: memref<10000xi32, #tpu.memory_space<vmem>>, %arg11: memref<16xi32, #tpu.memory_space<vmem>>, %arg12: memref<128xf32, #tpu.memory_space<vmem>>, %arg13: memref<128xf32, #tpu.memory_space<vmem>>, %arg14: memref<10240x128xf32, #tpu.memory_space<vmem_shared>>, %arg15: memref<10240xf32, #tpu.memory_space<vmem_shared>>, %arg16: memref<!tpu.dma_semaphore, #tpu.memory_space<semaphore_mem>>, %arg17: memref<!tpu.dma_semaphore, #tpu.memory_space<semaphore_mem>>, %arg18: memref<!tpu.dma_semaphore, #tpu.memory_space<semaphore_mem>>, %arg19: memref<!tpu.dma_semaphore, #tpu.memory_space<semaphore_mem>>, %arg20: memref<!tpu.dma_semaphore, #tpu.memory_space<semaphore_mem>>, %arg21: memref<!tpu.dma_semaphore, #tpu.memory_space<semaphore_mem>>) attributes {dimension_semantics = [#tpu.dimension_semantics<core_parallel>, #tpu.dimension_semantics<subcore_parallel>], iteration_bounds = array<i64: 2, 16>, scalar_prefetch = 0 : i64, scratch_operands = 16 : i64, tpu.core_type = #tpu.core_type<sc_vector_subcore>, window_params = [{transform_indices = #map}, {transform_indices = #map1}, {transform_indices = #map2}, {transform_indices = #map}]} {
    %mul3A = arith.constant 2 : i32
    %mul3A_0 = arith.muli %arg1, %mul3A : i32
    %add3A = arith.addi %mul3A_0, %arg0 : i32
    %mul3A_1 = arith.constant 640 : i32
    %mul3A_2 = arith.muli %arg1, %mul3A_1 : i32
    %mul3A_3 = arith.constant 10000 : i32
    %mul3A_4 = arith.muli %add3A, %mul3A_3 : i32
    %add3A_5 = arith.constant 320000 : i32
    %add3A_6 = arith.addi %add3A_5, %mul3A_4 : i32
    %dma_start3A = tpu.memref_slice %arg3[%mul3A_4] : memref<640000xi32, #tpu.memory_space<hbm>> -> memref<10000xi32, #tpu.memory_space<hbm>>
    %dma_start3A_7 = tpu.memref_slice %arg3[%mul3A_4] : memref<640000xi32, #tpu.memory_space<hbm>> -> memref<10000xi32, #tpu.memory_space<hbm>>
    tpu.enqueue_dma source(%dma_start3A_7 : memref<10000xi32, #tpu.memory_space<hbm>>) target(%arg10 : memref<10000xi32, #tpu.memory_space<vmem>>) target_semaphore(%arg16 : memref<!tpu.dma_semaphore, #tpu.memory_space<semaphore_mem>>)
    %scan3A = arith.constant 0 : i32
    %scan3A_8 = arith.constant 0 : i32
    %scan3A_9 = arith.constant 1024 : i32
    %scan3A_10 = arith.addi %scan3A_8, %scan3A_9 : i32
    %scan3A_11 = arith.constant 1 : i32
    %scan3A_12 = scf.for %scan3A_118 = %scan3A_8 to %scan3A_10 step %scan3A_11 iter_args(%scan3A_119 = %scan3A) -> (i32)  : i32 {
      %jit3A = arith.constant 8 : i32
      %div3A = arith.divsi %scan3A_118, %jit3A : i32
      %sign3A = arith.constant 0 : i32
      %sign3A_120 = arith.cmpi sgt, %scan3A_118, %sign3A : i32
      %sign3A_121 = arith.extui %sign3A_120 : i1 to i32
      %sign3A_122 = arith.constant 0 : i32
      %sign3A_123 = arith.cmpi slt, %scan3A_118, %sign3A_122 : i32
      %sign3A_124 = arith.extui %sign3A_123 : i1 to i32
      %sign3A_125 = arith.subi %sign3A_121, %sign3A_124 : i32
      %sign3A_126 = arith.constant 0 : i32
      %sign3A_127 = arith.cmpi sgt, %jit3A, %sign3A_126 : i32
      %sign3A_128 = arith.extui %sign3A_127 : i1 to i32
      %sign3A_129 = arith.constant 0 : i32
      %sign3A_130 = arith.cmpi slt, %jit3A, %sign3A_129 : i32
      %sign3A_131 = arith.extui %sign3A_130 : i1 to i32
      %sign3A_132 = arith.subi %sign3A_128, %sign3A_131 : i32
      %ne3A = arith.cmpi ne, %sign3A_125, %sign3A_132 : i32
      %rem3A = arith.remsi %scan3A_118, %jit3A : i32
      %ne3A_133 = arith.constant 0 : i32
      %ne3A_134 = arith.cmpi ne, %rem3A, %ne3A_133 : i32
      %and3A = arith.andi %ne3A, %ne3A_134 : i1
      %sub3A = arith.constant 1 : i32
      %sub3A_135 = arith.subi %div3A, %sub3A : i32
      %select_n3A = arith.select %and3A, %sub3A_135, %div3A : i32
      %jit3A_136 = arith.constant 8 : i32
      %eq3A = arith.constant 0 : i32
      %eq3A_137 = arith.cmpi eq, %jit3A_136, %eq3A : i32
      %jit3A_138 = arith.constant 1 : i32
      %select_n3A_139 = arith.select %eq3A_137, %jit3A_138, %jit3A_136 : i32
      %rem3A_140 = arith.remsi %scan3A_118, %select_n3A_139 : i32
      %ne3A_141 = arith.constant 0 : i32
      %ne3A_142 = arith.cmpi ne, %rem3A_140, %ne3A_141 : i32
      %lt3A = arith.constant 0 : i32
      %lt3A_143 = arith.cmpi slt, %rem3A_140, %lt3A : i32
      %lt3A_144 = arith.constant 0 : i32
      %lt3A_145 = arith.cmpi slt, %select_n3A_139, %lt3A_144 : i32
      %ne3A_146 = arith.xori %lt3A_143, %lt3A_145 : i1
      %and3A_147 = arith.andi %ne3A_146, %ne3A_142 : i1
      %add3A_148 = arith.addi %rem3A_140, %select_n3A_139 : i32
      %select_n3A_149 = arith.select %and3A_147, %add3A_148, %rem3A_140 : i32
      %mul3A_150 = arith.constant 16 : i32
      %mul3A_151 = arith.muli %select_n3A_149, %mul3A_150 : i32
      %broadcast_in_dim3A = arith.constant 0.000000e+00 : f32
      %broadcast_in_dim3A_152 = vector.broadcast %broadcast_in_dim3A : f32 to vector<16xf32>
      %swap3A = arith.index_cast %select_n3A : i32 to index
      %swap3A_153 = arith.index_cast %mul3A_151 : i32 to index
      %swap3A_154 = tpu.vector_load %arg6[%swap3A, %swap3A_153] {strides = array<i32>} : memref<128x128xf32, #tpu.memory_space<vmem>>, vector<1x16xf32>,
      %swap3A_155 = vector.shape_cast %swap3A_154 : vector<1x16xf32> to vector<16xf32>
      %swap3A_156 = vector.shape_cast %broadcast_in_dim3A_152 : vector<16xf32> to vector<1x16xf32>
      tpu.vector_store %arg6[%swap3A, %swap3A_153], %swap3A_156 {strides = array<i32>} : memref<128x128xf32, #tpu.memory_space<vmem>>, vector<1x16xf32>,
      %scan3A_157 = arith.constant 0 : i32
      scf.yield %scan3A_157 : i32
    }
    %scan3A_13 = arith.constant 1024 : i32
    %scan3A_14 = arith.constant 0 : i32
    %scan3A_15 = arith.constant 0 : i32
    %scan3A_16 = arith.constant 8 : i32
    %scan3A_17 = arith.addi %scan3A_15, %scan3A_16 : i32
    %scan3A_18 = arith.constant 1 : i32
    %scan3A_19 = scf.for %scan3A_118 = %scan3A_15 to %scan3A_17 step %scan3A_18 iter_args(%scan3A_119 = %scan3A_14) -> (i32)  : i32 {
      %broadcast_in_dim3A = arith.constant 1.000000e+00 : f32
      %broadcast_in_dim3A_120 = vector.broadcast %broadcast_in_dim3A : f32 to vector<16xf32>
      %mul3A_121 = arith.constant 16 : i32
      %mul3A_122 = arith.muli %scan3A_118, %mul3A_121 : i32
      %swap3A = arith.index_cast %mul3A_122 : i32 to index
      %swap3A_123 = tpu.vector_load %arg12[%swap3A] {strides = array<i32>} : memref<128xf32, #tpu.memory_space<vmem>>, vector<16xf32>,
      %swap3A_124 = vector.shape_cast %swap3A_123 : vector<16xf32> to vector<16xf32>
      %swap3A_125 = vector.shape_cast %broadcast_in_dim3A_120 : vector<16xf32> to vector<16xf32>
      tpu.vector_store %arg12[%swap3A], %swap3A_125 {strides = array<i32>} : memref<128xf32, #tpu.memory_space<vmem>>, vector<16xf32>,
      %broadcast_in_dim3A_126 = arith.constant 0.000000e+00 : f32
      %broadcast_in_dim3A_127 = vector.broadcast %broadcast_in_dim3A_126 : f32 to vector<16xf32>
      %mul3A_128 = arith.constant 16 : i32
      %mul3A_129 = arith.muli %scan3A_118, %mul3A_128 : i32
      %swap3A_130 = arith.index_cast %mul3A_129 : i32 to index
      %swap3A_131 = tpu.vector_load %arg13[%swap3A_130] {strides = array<i32>} : memref<128xf32, #tpu.memory_space<vmem>>, vector<16xf32>,
      %swap3A_132 = vector.shape_cast %swap3A_131 : vector<16xf32> to vector<16xf32>
      %swap3A_133 = vector.shape_cast %broadcast_in_dim3A_127 : vector<16xf32> to vector<16xf32>
      tpu.vector_store %arg13[%swap3A_130], %swap3A_133 {strides = array<i32>} : memref<128xf32, #tpu.memory_space<vmem>>, vector<16xf32>,
      %scan3A_134 = arith.constant 0 : i32
      scf.yield %scan3A_134 : i32
    }
    %scan3A_20 = arith.constant 8 : i32
    "tpu.trace_start"() <{level = 10 : i32, message = "zero_acc"}> : () -> ()
    %scan3A_21 = arith.constant 0 : i32
    %scan3A_22 = arith.constant 0 : i32
    %scan3A_23 = arith.constant 5 : i32
    %scan3A_24 = arith.addi %scan3A_22, %scan3A_23 : i32
    %scan3A_25 = arith.constant 1 : i32
    %scan3A_26 = scf.for %scan3A_118 = %scan3A_22 to %scan3A_24 step %scan3A_25 iter_args(%scan3A_119 = %scan3A_21) -> (i32)  : i32 {
      %mul3A_120 = arith.constant 128 : i32
      %mul3A_121 = arith.muli %scan3A_118, %mul3A_120 : i32
      %add3A_122 = arith.addi %mul3A_2, %mul3A_121 : i32
      "tpu.region"() ({
        %run_scoped3A = tpu.sem_alloc : memref<!tpu.dma_semaphore, #tpu.memory_space<semaphore_mem>>
        %dma_start3A_127 = arith.constant 0 : i32
        %dma_start3A_128 = tpu.memref_slice %arg14[%add3A_122, %dma_start3A_127] : memref<10240x128xf32, #tpu.memory_space<vmem_shared>> -> memref<128x128xf32, #tpu.memory_space<vmem_shared>>
        %dma_start3A_129 = arith.constant 0 : i32
        %dma_start3A_130 = tpu.memref_slice %arg14[%add3A_122, %dma_start3A_129] : memref<10240x128xf32, #tpu.memory_space<vmem_shared>> -> memref<128x128xf32, #tpu.memory_space<vmem_shared>>
        tpu.enqueue_dma source(%arg6 : memref<128x128xf32, #tpu.memory_space<vmem>>) target(%dma_start3A_130 : memref<128x128xf32, #tpu.memory_space<vmem_shared>>) target_semaphore(%run_scoped3A : memref<!tpu.dma_semaphore, #tpu.memory_space<semaphore_mem>>)
        %dma_wait3A_131 = arith.constant 0 : i32
        %dma_wait3A_132 = tpu.memref_slice %arg14[%add3A_122, %dma_wait3A_131] : memref<10240x128xf32, #tpu.memory_space<vmem_shared>> -> memref<128x128xf32, #tpu.memory_space<vmem_shared>>
        %dma_wait3A_133 = arith.constant 0 : i32
        %dma_wait3A_134 = tpu.memref_slice %arg14[%add3A_122, %dma_wait3A_133] : memref<10240x128xf32, #tpu.memory_space<vmem_shared>> -> memref<128x128xf32, #tpu.memory_space<vmem_shared>>
        tpu.wait_dma2 semaphore(%run_scoped3A : memref<!tpu.dma_semaphore, #tpu.memory_space<semaphore_mem>>) src(%arg6 : memref<128x128xf32, #tpu.memory_space<vmem>>) dst(%dma_wait3A_134 : memref<128x128xf32, #tpu.memory_space<vmem_shared>>)
        tpu.yield
      }) : () -> ()
      %mul3A_123 = arith.constant 128 : i32
      %mul3A_124 = arith.muli %scan3A_118, %mul3A_123 : i32
      %add3A_125 = arith.addi %mul3A_2, %mul3A_124 : i32
      "tpu.region"() ({
        %run_scoped3A = tpu.sem_alloc : memref<!tpu.dma_semaphore, #tpu.memory_space<semaphore_mem>>
        %dma_start3A_127 = tpu.memref_slice %arg15[%add3A_125] : memref<10240xf32, #tpu.memory_space<vmem_shared>> -> memref<128xf32, #tpu.memory_space<vmem_shared>>
        %dma_start3A_128 = tpu.memref_slice %arg15[%add3A_125] : memref<10240xf32, #tpu.memory_space<vmem_shared>> -> memref<128xf32, #tpu.memory_space<vmem_shared>>
        tpu.enqueue_dma source(%arg13 : memref<128xf32, #tpu.memory_space<vmem>>) target(%dma_start3A_128 : memref<128xf32, #tpu.memory_space<vmem_shared>>) target_semaphore(%run_scoped3A : memref<!tpu.dma_semaphore, #tpu.memory_space<semaphore_mem>>)
        %dma_wait3A_129 = tpu.memref_slice %arg15[%add3A_125] : memref<10240xf32, #tpu.memory_space<vmem_shared>> -> memref<128xf32, #tpu.memory_space<vmem_shared>>
        %dma_wait3A_130 = tpu.memref_slice %arg15[%add3A_125] : memref<10240xf32, #tpu.memory_space<vmem_shared>> -> memref<128xf32, #tpu.memory_space<vmem_shared>>
        tpu.wait_dma2 semaphore(%run_scoped3A : memref<!tpu.dma_semaphore, #tpu.memory_space<semaphore_mem>>) src(%arg13 : memref<128xf32, #tpu.memory_space<vmem>>) dst(%dma_wait3A_130 : memref<128xf32, #tpu.memory_space<vmem_shared>>)
        tpu.yield
      }) : () -> ()
      %scan3A_126 = arith.constant 0 : i32
      scf.yield %scan3A_126 : i32
    }
    %scan3A_27 = arith.constant 5 : i32
    %dma_wait3A = tpu.memref_slice %arg3[%mul3A_4] : memref<640000xi32, #tpu.memory_space<hbm>> -> memref<10000xi32, #tpu.memory_space<hbm>>
    %dma_wait3A_28 = tpu.memref_slice %arg3[%mul3A_4] : memref<640000xi32, #tpu.memory_space<hbm>> -> memref<10000xi32, #tpu.memory_space<hbm>>
    tpu.wait_dma2 semaphore(%arg16 : memref<!tpu.dma_semaphore, #tpu.memory_space<semaphore_mem>>) src(%dma_wait3A_28 : memref<10000xi32, #tpu.memory_space<hbm>>) dst(%arg10 : memref<10000xi32, #tpu.memory_space<vmem>>)
    %barrier3A = arith.constant 0 : index
    tpu.barrier barrier_id(%barrier3A)
    "tpu.trace_stop"() : () -> ()
    "tpu.trace_start"() <{level = 10 : i32, message = "edge_loop"}> : () -> ()
    %add3A_29 = arith.constant 0 : i32
    %add3A_30 = arith.addi %add3A_6, %add3A_29 : i32
    %dma_start3A_31 = tpu.memref_slice %arg3[%add3A_30] : memref<640000xi32, #tpu.memory_space<hbm>> -> memref<128xi32, #tpu.memory_space<hbm>>
    %dma_start3A_32 = tpu.memref_slice %arg3[%add3A_30] : memref<640000xi32, #tpu.memory_space<hbm>> -> memref<128xi32, #tpu.memory_space<hbm>>
    tpu.enqueue_dma source(%dma_start3A_32 : memref<128xi32, #tpu.memory_space<hbm>>) target(%arg8 : memref<128xi32, #tpu.memory_space<vmem>>) target_semaphore(%arg18 : memref<!tpu.dma_semaphore, #tpu.memory_space<semaphore_mem>>)
    %dma_start3A_33 = arith.constant 0 : i32
    %dma_start3A_34 = tpu.memref_slice %arg10[%dma_start3A_33] : memref<10000xi32, #tpu.memory_space<vmem>> -> memref<128xi32, #tpu.memory_space<vmem>>
    %dma_start3A_35 = arith.constant 0 : i32
    %dma_start3A_36 = arith.constant 0 : i32
    %dma_start3A_37 = tpu.memref_slice %arg2[%dma_start3A_35, %dma_start3A_36] : memref<10000x128xf32, #tpu.memory_space<hbm>> -> memref<10000x128xf32, #tpu.memory_space<hbm>>
    tpu.enqueue_indirect_dma source(%dma_start3A_37 : memref<10000x128xf32, #tpu.memory_space<hbm>>) target(%arg6 : memref<128x128xf32, #tpu.memory_space<vmem>>) offsets(%dma_start3A_34 : memref<128xi32, #tpu.memory_space<vmem>>) semaphore(%arg16 : memref<!tpu.dma_semaphore, #tpu.memory_space<semaphore_mem>>)
    %add3A_38 = arith.constant 128 : i32
    %add3A_39 = arith.addi %add3A_6, %add3A_38 : i32
    %dma_start3A_40 = tpu.memref_slice %arg3[%add3A_39] : memref<640000xi32, #tpu.memory_space<hbm>> -> memref<128xi32, #tpu.memory_space<hbm>>
    %dma_start3A_41 = tpu.memref_slice %arg3[%add3A_39] : memref<640000xi32, #tpu.memory_space<hbm>> -> memref<128xi32, #tpu.memory_space<hbm>>
    tpu.enqueue_dma source(%dma_start3A_41 : memref<128xi32, #tpu.memory_space<hbm>>) target(%arg9 : memref<128xi32, #tpu.memory_space<vmem>>) target_semaphore(%arg19 : memref<!tpu.dma_semaphore, #tpu.memory_space<semaphore_mem>>)
    %dma_start3A_42 = arith.constant 128 : i32
    %dma_start3A_43 = tpu.memref_slice %arg10[%dma_start3A_42] : memref<10000xi32, #tpu.memory_space<vmem>> -> memref<128xi32, #tpu.memory_space<vmem>>
    %dma_start3A_44 = arith.constant 0 : i32
    %dma_start3A_45 = arith.constant 0 : i32
    %dma_start3A_46 = tpu.memref_slice %arg2[%dma_start3A_44, %dma_start3A_45] : memref<10000x128xf32, #tpu.memory_space<hbm>> -> memref<10000x128xf32, #tpu.memory_space<hbm>>
    tpu.enqueue_indirect_dma source(%dma_start3A_46 : memref<10000x128xf32, #tpu.memory_space<hbm>>) target(%arg7 : memref<128x128xf32, #tpu.memory_space<vmem>>) offsets(%dma_start3A_43 : memref<128xi32, #tpu.memory_space<vmem>>) semaphore(%arg17 : memref<!tpu.dma_semaphore, #tpu.memory_space<semaphore_mem>>)
    %scan3A_47 = arith.constant 0 : i32
    %scan3A_48 = arith.constant 0 : i32
    %scan3A_49 = arith.constant 38 : i32
    %scan3A_50 = arith.addi %scan3A_48, %scan3A_49 : i32
    %scan3A_51 = arith.constant 1 : i32
    %scan3A_52 = scf.for %scan3A_118 = %scan3A_48 to %scan3A_50 step %scan3A_51 iter_args(%scan3A_119 = %scan3A_47) -> (i32)  : i32 {
      %mul3A_120 = arith.constant 2 : i32
      %mul3A_121 = arith.muli %scan3A_118, %mul3A_120 : i32
      %add3A_122 = arith.constant 0 : i32
      %add3A_123 = arith.addi %mul3A_121, %add3A_122 : i32
      %mul3A_124 = arith.constant 128 : i32
      %mul3A_125 = arith.muli %add3A_123, %mul3A_124 : i32
      %add3A_126 = arith.addi %add3A_6, %mul3A_125 : i32
      %dma_wait3A_127 = tpu.memref_slice %arg3[%add3A_126] : memref<640000xi32, #tpu.memory_space<hbm>> -> memref<128xi32, #tpu.memory_space<hbm>>
      %dma_wait3A_128 = tpu.memref_slice %arg3[%add3A_126] : memref<640000xi32, #tpu.memory_space<hbm>> -> memref<128xi32, #tpu.memory_space<hbm>>
      tpu.wait_dma2 semaphore(%arg18 : memref<!tpu.dma_semaphore, #tpu.memory_space<semaphore_mem>>) src(%dma_wait3A_128 : memref<128xi32, #tpu.memory_space<hbm>>) dst(%arg8 : memref<128xi32, #tpu.memory_space<vmem>>)
      %mul3A_129 = arith.constant 128 : i32
      %mul3A_130 = arith.muli %add3A_123, %mul3A_129 : i32
      %dma_wait3A_131 = tpu.memref_slice %arg10[%mul3A_130] : memref<10000xi32, #tpu.memory_space<vmem>> -> memref<128xi32, #tpu.memory_space<vmem>>
      %dma_wait3A_132 = arith.constant 0 : i32
      %dma_wait3A_133 = arith.constant 0 : i32
      %dma_wait3A_134 = tpu.memref_slice %arg2[%dma_wait3A_132, %dma_wait3A_133] : memref<10000x128xf32, #tpu.memory_space<hbm>> -> memref<10000x128xf32, #tpu.memory_space<hbm>>
      tpu.wait_indirect_dma semaphore(%arg16 : memref<!tpu.dma_semaphore, #tpu.memory_space<semaphore_mem>>) src(%dma_wait3A_134 : memref<10000x128xf32, #tpu.memory_space<hbm>>) dst(%arg6 : memref<128x128xf32, #tpu.memory_space<vmem>>)
      %dma_start3A_135 = arith.constant 0 : i32
      %dma_start3A_136 = arith.constant 0 : i32
      %dma_start3A_137 = tpu.memref_slice %arg14[%dma_start3A_135, %dma_start3A_136] : memref<10240x128xf32, #tpu.memory_space<vmem_shared>> -> memref<10240x128xf32, #tpu.memory_space<vmem_shared>>
      tpu.enqueue_indirect_dma source(%arg6 : memref<128x128xf32, #tpu.memory_space<vmem>>) target(%dma_start3A_137 : memref<10240x128xf32, #tpu.memory_space<vmem_shared>>) offsets(%arg8 : memref<128xi32, #tpu.memory_space<vmem>>) semaphore(%arg20 : memref<!tpu.dma_semaphore, #tpu.memory_space<semaphore_mem>>) {add = true}
      %dma_start3A_138 = arith.constant 0 : i32
      %dma_start3A_139 = tpu.memref_slice %arg15[%dma_start3A_138] : memref<10240xf32, #tpu.memory_space<vmem_shared>> -> memref<10240xf32, #tpu.memory_space<vmem_shared>>
      tpu.enqueue_indirect_dma source(%arg12 : memref<128xf32, #tpu.memory_space<vmem>>) target(%dma_start3A_139 : memref<10240xf32, #tpu.memory_space<vmem_shared>>) offsets(%arg8 : memref<128xi32, #tpu.memory_space<vmem>>) semaphore(%arg21 : memref<!tpu.dma_semaphore, #tpu.memory_space<semaphore_mem>>) {add = true}
      %dma_wait3A_140 = arith.constant 0 : i32
      %dma_wait3A_141 = arith.constant 0 : i32
      %dma_wait3A_142 = tpu.memref_slice %arg14[%dma_wait3A_140, %dma_wait3A_141] : memref<10240x128xf32, #tpu.memory_space<vmem_shared>> -> memref<10240x128xf32, #tpu.memory_space<vmem_shared>>
      tpu.wait_indirect_dma semaphore(%arg20 : memref<!tpu.dma_semaphore, #tpu.memory_space<semaphore_mem>>) src(%arg6 : memref<128x128xf32, #tpu.memory_space<vmem>>) dst(%dma_wait3A_142 : memref<10240x128xf32, #tpu.memory_space<vmem_shared>>)
      %dma_wait3A_143 = arith.constant 0 : i32
      %dma_wait3A_144 = tpu.memref_slice %arg15[%dma_wait3A_143] : memref<10240xf32, #tpu.memory_space<vmem_shared>> -> memref<10240xf32, #tpu.memory_space<vmem_shared>>
      tpu.wait_indirect_dma semaphore(%arg21 : memref<!tpu.dma_semaphore, #tpu.memory_space<semaphore_mem>>) src(%arg12 : memref<128xf32, #tpu.memory_space<vmem>>) dst(%dma_wait3A_144 : memref<10240xf32, #tpu.memory_space<vmem_shared>>)
      %add3A_145 = arith.constant 2 : i32
      %add3A_146 = arith.addi %add3A_123, %add3A_145 : i32
      %mul3A_147 = arith.constant 128 : i32
      %mul3A_148 = arith.muli %add3A_146, %mul3A_147 : i32
      %add3A_149 = arith.addi %add3A_6, %mul3A_148 : i32
      %dma_start3A_150 = tpu.memref_slice %arg3[%add3A_149] : memref<640000xi32, #tpu.memory_space<hbm>> -> memref<128xi32, #tpu.memory_space<hbm>>
      %dma_start3A_151 = tpu.memref_slice %arg3[%add3A_149] : memref<640000xi32, #tpu.memory_space<hbm>> -> memref<128xi32, #tpu.memory_space<hbm>>
      tpu.enqueue_dma source(%dma_start3A_151 : memref<128xi32, #tpu.memory_space<hbm>>) target(%arg8 : memref<128xi32, #tpu.memory_space<vmem>>) target_semaphore(%arg18 : memref<!tpu.dma_semaphore, #tpu.memory_space<semaphore_mem>>)
      %mul3A_152 = arith.constant 128 : i32
      %mul3A_153 = arith.muli %add3A_146, %mul3A_152 : i32
      %dma_start3A_154 = tpu.memref_slice %arg10[%mul3A_153] : memref<10000xi32, #tpu.memory_space<vmem>> -> memref<128xi32, #tpu.memory_space<vmem>>
      %dma_start3A_155 = arith.constant 0 : i32
      %dma_start3A_156 = arith.constant 0 : i32
      %dma_start3A_157 = tpu.memref_slice %arg2[%dma_start3A_155, %dma_start3A_156] : memref<10000x128xf32, #tpu.memory_space<hbm>> -> memref<10000x128xf32, #tpu.memory_space<hbm>>
      tpu.enqueue_indirect_dma source(%dma_start3A_157 : memref<10000x128xf32, #tpu.memory_space<hbm>>) target(%arg6 : memref<128x128xf32, #tpu.memory_space<vmem>>) offsets(%dma_start3A_154 : memref<128xi32, #tpu.memory_space<vmem>>) semaphore(%arg16 : memref<!tpu.dma_semaphore, #tpu.memory_space<semaphore_mem>>)
      %mul3A_158 = arith.constant 2 : i32
      %mul3A_159 = arith.muli %scan3A_118, %mul3A_158 : i32
      %add3A_160 = arith.constant 1 : i32
      %add3A_161 = arith.addi %mul3A_159, %add3A_160 : i32
      %mul3A_162 = arith.constant 128 : i32
      %mul3A_163 = arith.muli %add3A_161, %mul3A_162 : i32
      %add3A_164 = arith.addi %add3A_6, %mul3A_163 : i32
      %dma_wait3A_165 = tpu.memref_slice %arg3[%add3A_164] : memref<640000xi32, #tpu.memory_space<hbm>> -> memref<128xi32, #tpu.memory_space<hbm>>
      %dma_wait3A_166 = tpu.memref_slice %arg3[%add3A_164] : memref<640000xi32, #tpu.memory_space<hbm>> -> memref<128xi32, #tpu.memory_space<hbm>>
      tpu.wait_dma2 semaphore(%arg19 : memref<!tpu.dma_semaphore, #tpu.memory_space<semaphore_mem>>) src(%dma_wait3A_166 : memref<128xi32, #tpu.memory_space<hbm>>) dst(%arg9 : memref<128xi32, #tpu.memory_space<vmem>>)
      %mul3A_167 = arith.constant 128 : i32
      %mul3A_168 = arith.muli %add3A_161, %mul3A_167 : i32
      %dma_wait3A_169 = tpu.memref_slice %arg10[%mul3A_168] : memref<10000xi32, #tpu.memory_space<vmem>> -> memref<128xi32, #tpu.memory_space<vmem>>
      %dma_wait3A_170 = arith.constant 0 : i32
      %dma_wait3A_171 = arith.constant 0 : i32
      %dma_wait3A_172 = tpu.memref_slice %arg2[%dma_wait3A_170, %dma_wait3A_171] : memref<10000x128xf32, #tpu.memory_space<hbm>> -> memref<10000x128xf32, #tpu.memory_space<hbm>>
      tpu.wait_indirect_dma semaphore(%arg17 : memref<!tpu.dma_semaphore, #tpu.memory_space<semaphore_mem>>) src(%dma_wait3A_172 : memref<10000x128xf32, #tpu.memory_space<hbm>>) dst(%arg7 : memref<128x128xf32, #tpu.memory_space<vmem>>)
      %dma_start3A_173 = arith.constant 0 : i32
      %dma_start3A_174 = arith.constant 0 : i32
      %dma_start3A_175 = tpu.memref_slice %arg14[%dma_start3A_173, %dma_start3A_174] : memref<10240x128xf32, #tpu.memory_space<vmem_shared>> -> memref<10240x128xf32, #tpu.memory_space<vmem_shared>>
      tpu.enqueue_indirect_dma source(%arg7 : memref<128x128xf32, #tpu.memory_space<vmem>>) target(%dma_start3A_175 : memref<10240x128xf32, #tpu.memory_space<vmem_shared>>) offsets(%arg9 : memref<128xi32, #tpu.memory_space<vmem>>) semaphore(%arg20 : memref<!tpu.dma_semaphore, #tpu.memory_space<semaphore_mem>>) {add = true}
      %dma_start3A_176 = arith.constant 0 : i32
      %dma_start3A_177 = tpu.memref_slice %arg15[%dma_start3A_176] : memref<10240xf32, #tpu.memory_space<vmem_shared>> -> memref<10240xf32, #tpu.memory_space<vmem_shared>>
      tpu.enqueue_indirect_dma source(%arg12 : memref<128xf32, #tpu.memory_space<vmem>>) target(%dma_start3A_177 : memref<10240xf32, #tpu.memory_space<vmem_shared>>) offsets(%arg9 : memref<128xi32, #tpu.memory_space<vmem>>) semaphore(%arg21 : memref<!tpu.dma_semaphore, #tpu.memory_space<semaphore_mem>>) {add = true}
      %dma_wait3A_178 = arith.constant 0 : i32
      %dma_wait3A_179 = arith.constant 0 : i32
      %dma_wait3A_180 = tpu.memref_slice %arg14[%dma_wait3A_178, %dma_wait3A_179] : memref<10240x128xf32, #tpu.memory_space<vmem_shared>> -> memref<10240x128xf32, #tpu.memory_space<vmem_shared>>
      tpu.wait_indirect_dma semaphore(%arg20 : memref<!tpu.dma_semaphore, #tpu.memory_space<semaphore_mem>>) src(%arg7 : memref<128x128xf32, #tpu.memory_space<vmem>>) dst(%dma_wait3A_180 : memref<10240x128xf32, #tpu.memory_space<vmem_shared>>)
      %dma_wait3A_181 = arith.constant 0 : i32
      %dma_wait3A_182 = tpu.memref_slice %arg15[%dma_wait3A_181] : memref<10240xf32, #tpu.memory_space<vmem_shared>> -> memref<10240xf32, #tpu.memory_space<vmem_shared>>
      tpu.wait_indirect_dma semaphore(%arg21 : memref<!tpu.dma_semaphore, #tpu.memory_space<semaphore_mem>>) src(%arg12 : memref<128xf32, #tpu.memory_space<vmem>>) dst(%dma_wait3A_182 : memref<10240xf32, #tpu.memory_space<vmem_shared>>)
      %add3A_183 = arith.constant 2 : i32
      %add3A_184 = arith.addi %add3A_161, %add3A_183 : i32
      %mul3A_185 = arith.constant 128 : i32
      %mul3A_186 = arith.muli %add3A_184, %mul3A_185 : i32
      %add3A_187 = arith.addi %add3A_6, %mul3A_186 : i32
      %dma_start3A_188 = tpu.memref_slice %arg3[%add3A_187] : memref<640000xi32, #tpu.memory_space<hbm>> -> memref<128xi32, #tpu.memory_space<hbm>>
      %dma_start3A_189 = tpu.memref_slice %arg3[%add3A_187] : memref<640000xi32, #tpu.memory_space<hbm>> -> memref<128xi32, #tpu.memory_space<hbm>>
      tpu.enqueue_dma source(%dma_start3A_189 : memref<128xi32, #tpu.memory_space<hbm>>) target(%arg9 : memref<128xi32, #tpu.memory_space<vmem>>) target_semaphore(%arg19 : memref<!tpu.dma_semaphore, #tpu.memory_space<semaphore_mem>>)
      %mul3A_190 = arith.constant 128 : i32
      %mul3A_191 = arith.muli %add3A_184, %mul3A_190 : i32
      %dma_start3A_192 = tpu.memref_slice %arg10[%mul3A_191] : memref<10000xi32, #tpu.memory_space<vmem>> -> memref<128xi32, #tpu.memory_space<vmem>>
      %dma_start3A_193 = arith.constant 0 : i32
      %dma_start3A_194 = arith.constant 0 : i32
      %dma_start3A_195 = tpu.memref_slice %arg2[%dma_start3A_193, %dma_start3A_194] : memref<10000x128xf32, #tpu.memory_space<hbm>> -> memref<10000x128xf32, #tpu.memory_space<hbm>>
      tpu.enqueue_indirect_dma source(%dma_start3A_195 : memref<10000x128xf32, #tpu.memory_space<hbm>>) target(%arg7 : memref<128x128xf32, #tpu.memory_space<vmem>>) offsets(%dma_start3A_192 : memref<128xi32, #tpu.memory_space<vmem>>) semaphore(%arg17 : memref<!tpu.dma_semaphore, #tpu.memory_space<semaphore_mem>>)
      %scan3A_196 = arith.constant 0 : i32
      scf.yield %scan3A_196 : i32
    }
    %scan3A_53 = arith.constant 38 : i32
    %add3A_54 = arith.constant 9728 : i32
    %add3A_55 = arith.addi %add3A_6, %add3A_54 : i32
    %dma_wait3A_56 = tpu.memref_slice %arg3[%add3A_55] : memref<640000xi32, #tpu.memory_space<hbm>> -> memref<128xi32, #tpu.memory_space<hbm>>
    %dma_wait3A_57 = tpu.memref_slice %arg3[%add3A_55] : memref<640000xi32, #tpu.memory_space<hbm>> -> memref<128xi32, #tpu.memory_space<hbm>>
    tpu.wait_dma2 semaphore(%arg18 : memref<!tpu.dma_semaphore, #tpu.memory_space<semaphore_mem>>) src(%dma_wait3A_57 : memref<128xi32, #tpu.memory_space<hbm>>) dst(%arg8 : memref<128xi32, #tpu.memory_space<vmem>>)
    %dma_wait3A_58 = arith.constant 9728 : i32
    %dma_wait3A_59 = tpu.memref_slice %arg10[%dma_wait3A_58] : memref<10000xi32, #tpu.memory_space<vmem>> -> memref<128xi32, #tpu.memory_space<vmem>>
    %dma_wait3A_60 = arith.constant 0 : i32
    %dma_wait3A_61 = arith.constant 0 : i32
    %dma_wait3A_62 = tpu.memref_slice %arg2[%dma_wait3A_60, %dma_wait3A_61] : memref<10000x128xf32, #tpu.memory_space<hbm>> -> memref<10000x128xf32, #tpu.memory_space<hbm>>
    tpu.wait_indirect_dma semaphore(%arg16 : memref<!tpu.dma_semaphore, #tpu.memory_space<semaphore_mem>>) src(%dma_wait3A_62 : memref<10000x128xf32, #tpu.memory_space<hbm>>) dst(%arg6 : memref<128x128xf32, #tpu.memory_space<vmem>>)
    %dma_start3A_63 = arith.constant 0 : i32
    %dma_start3A_64 = arith.constant 0 : i32
    %dma_start3A_65 = tpu.memref_slice %arg14[%dma_start3A_63, %dma_start3A_64] : memref<10240x128xf32, #tpu.memory_space<vmem_shared>> -> memref<10240x128xf32, #tpu.memory_space<vmem_shared>>
    tpu.enqueue_indirect_dma source(%arg6 : memref<128x128xf32, #tpu.memory_space<vmem>>) target(%dma_start3A_65 : memref<10240x128xf32, #tpu.memory_space<vmem_shared>>) offsets(%arg8 : memref<128xi32, #tpu.memory_space<vmem>>) semaphore(%arg20 : memref<!tpu.dma_semaphore, #tpu.memory_space<semaphore_mem>>) {add = true}
    %dma_start3A_66 = arith.constant 0 : i32
    %dma_start3A_67 = tpu.memref_slice %arg15[%dma_start3A_66] : memref<10240xf32, #tpu.memory_space<vmem_shared>> -> memref<10240xf32, #tpu.memory_space<vmem_shared>>
    tpu.enqueue_indirect_dma source(%arg12 : memref<128xf32, #tpu.memory_space<vmem>>) target(%dma_start3A_67 : memref<10240xf32, #tpu.memory_space<vmem_shared>>) offsets(%arg8 : memref<128xi32, #tpu.memory_space<vmem>>) semaphore(%arg21 : memref<!tpu.dma_semaphore, #tpu.memory_space<semaphore_mem>>) {add = true}
    %dma_wait3A_68 = arith.constant 0 : i32
    %dma_wait3A_69 = arith.constant 0 : i32
    %dma_wait3A_70 = tpu.memref_slice %arg14[%dma_wait3A_68, %dma_wait3A_69] : memref<10240x128xf32, #tpu.memory_space<vmem_shared>> -> memref<10240x128xf32, #tpu.memory_space<vmem_shared>>
    tpu.wait_indirect_dma semaphore(%arg20 : memref<!tpu.dma_semaphore, #tpu.memory_space<semaphore_mem>>) src(%arg6 : memref<128x128xf32, #tpu.memory_space<vmem>>) dst(%dma_wait3A_70 : memref<10240x128xf32, #tpu.memory_space<vmem_shared>>)
    %dma_wait3A_71 = arith.constant 0 : i32
    %dma_wait3A_72 = tpu.memref_slice %arg15[%dma_wait3A_71] : memref<10240xf32, #tpu.memory_space<vmem_shared>> -> memref<10240xf32, #tpu.memory_space<vmem_shared>>
    tpu.wait_indirect_dma semaphore(%arg21 : memref<!tpu.dma_semaphore, #tpu.memory_space<semaphore_mem>>) src(%arg12 : memref<128xf32, #tpu.memory_space<vmem>>) dst(%dma_wait3A_72 : memref<10240xf32, #tpu.memory_space<vmem_shared>>)
    %add3A_73 = arith.constant 9856 : i32
    %add3A_74 = arith.addi %add3A_6, %add3A_73 : i32
    %dma_wait3A_75 = tpu.memref_slice %arg3[%add3A_74] : memref<640000xi32, #tpu.memory_space<hbm>> -> memref<128xi32, #tpu.memory_space<hbm>>
    %dma_wait3A_76 = tpu.memref_slice %arg3[%add3A_74] : memref<640000xi32, #tpu.memory_space<hbm>> -> memref<128xi32, #tpu.memory_space<hbm>>
    tpu.wait_dma2 semaphore(%arg19 : memref<!tpu.dma_semaphore, #tpu.memory_space<semaphore_mem>>) src(%dma_wait3A_76 : memref<128xi32, #tpu.memory_space<hbm>>) dst(%arg9 : memref<128xi32, #tpu.memory_space<vmem>>)
    %dma_wait3A_77 = arith.constant 9856 : i32
    %dma_wait3A_78 = tpu.memref_slice %arg10[%dma_wait3A_77] : memref<10000xi32, #tpu.memory_space<vmem>> -> memref<128xi32, #tpu.memory_space<vmem>>
    %dma_wait3A_79 = arith.constant 0 : i32
    %dma_wait3A_80 = arith.constant 0 : i32
    %dma_wait3A_81 = tpu.memref_slice %arg2[%dma_wait3A_79, %dma_wait3A_80] : memref<10000x128xf32, #tpu.memory_space<hbm>> -> memref<10000x128xf32, #tpu.memory_space<hbm>>
    tpu.wait_indirect_dma semaphore(%arg17 : memref<!tpu.dma_semaphore, #tpu.memory_space<semaphore_mem>>) src(%dma_wait3A_81 : memref<10000x128xf32, #tpu.memory_space<hbm>>) dst(%arg7 : memref<128x128xf32, #tpu.memory_space<vmem>>)
    %dma_start3A_82 = arith.constant 0 : i32
    %dma_start3A_83 = arith.constant 0 : i32
    %dma_start3A_84 = tpu.memref_slice %arg14[%dma_start3A_82, %dma_start3A_83] : memref<10240x128xf32, #tpu.memory_space<vmem_shared>> -> memref<10240x128xf32, #tpu.memory_space<vmem_shared>>
    tpu.enqueue_indirect_dma source(%arg7 : memref<128x128xf32, #tpu.memory_space<vmem>>) target(%dma_start3A_84 : memref<10240x128xf32, #tpu.memory_space<vmem_shared>>) offsets(%arg9 : memref<128xi32, #tpu.memory_space<vmem>>) semaphore(%arg20 : memref<!tpu.dma_semaphore, #tpu.memory_space<semaphore_mem>>) {add = true}
    %dma_start3A_85 = arith.constant 0 : i32
    %dma_start3A_86 = tpu.memref_slice %arg15[%dma_start3A_85] : memref<10240xf32, #tpu.memory_space<vmem_shared>> -> memref<10240xf32, #tpu.memory_space<vmem_shared>>
    tpu.enqueue_indirect_dma source(%arg12 : memref<128xf32, #tpu.memory_space<vmem>>) target(%dma_start3A_86 : memref<10240xf32, #tpu.memory_space<vmem_shared>>) offsets(%arg9 : memref<128xi32, #tpu.memory_space<vmem>>) semaphore(%arg21 : memref<!tpu.dma_semaphore, #tpu.memory_space<semaphore_mem>>) {add = true}
    %dma_wait3A_87 = arith.constant 0 : i32
    %dma_wait3A_88 = arith.constant 0 : i32
    %dma_wait3A_89 = tpu.memref_slice %arg14[%dma_wait3A_87, %dma_wait3A_88] : memref<10240x128xf32, #tpu.memory_space<vmem_shared>> -> memref<10240x128xf32, #tpu.memory_space<vmem_shared>>
    tpu.wait_indirect_dma semaphore(%arg20 : memref<!tpu.dma_semaphore, #tpu.memory_space<semaphore_mem>>) src(%arg7 : memref<128x128xf32, #tpu.memory_space<vmem>>) dst(%dma_wait3A_89 : memref<10240x128xf32, #tpu.memory_space<vmem_shared>>)
    %dma_wait3A_90 = arith.constant 0 : i32
    %dma_wait3A_91 = tpu.memref_slice %arg15[%dma_wait3A_90] : memref<10240xf32, #tpu.memory_space<vmem_shared>> -> memref<10240xf32, #tpu.memory_space<vmem_shared>>
    tpu.wait_indirect_dma semaphore(%arg21 : memref<!tpu.dma_semaphore, #tpu.memory_space<semaphore_mem>>) src(%arg12 : memref<128xf32, #tpu.memory_space<vmem>>) dst(%dma_wait3A_91 : memref<10240xf32, #tpu.memory_space<vmem_shared>>)
    %add3A_92 = arith.constant 9984 : i32
    %add3A_93 = arith.addi %add3A_6, %add3A_92 : i32
    "tpu.region"() ({
      %run_scoped3A = tpu.sem_alloc : memref<!tpu.dma_semaphore, #tpu.memory_space<semaphore_mem>>
      %dma_start3A_118 = tpu.memref_slice %arg3[%add3A_93] : memref<640000xi32, #tpu.memory_space<hbm>> -> memref<16xi32, #tpu.memory_space<hbm>>
      %dma_start3A_119 = tpu.memref_slice %arg3[%add3A_93] : memref<640000xi32, #tpu.memory_space<hbm>> -> memref<16xi32, #tpu.memory_space<hbm>>
      tpu.enqueue_dma source(%dma_start3A_119 : memref<16xi32, #tpu.memory_space<hbm>>) target(%arg11 : memref<16xi32, #tpu.memory_space<vmem>>) target_semaphore(%run_scoped3A : memref<!tpu.dma_semaphore, #tpu.memory_space<semaphore_mem>>)
      %dma_wait3A_120 = tpu.memref_slice %arg3[%add3A_93] : memref<640000xi32, #tpu.memory_space<hbm>> -> memref<16xi32, #tpu.memory_space<hbm>>
      %dma_wait3A_121 = tpu.memref_slice %arg3[%add3A_93] : memref<640000xi32, #tpu.memory_space<hbm>> -> memref<16xi32, #tpu.memory_space<hbm>>
      tpu.wait_dma2 semaphore(%run_scoped3A : memref<!tpu.dma_semaphore, #tpu.memory_space<semaphore_mem>>) src(%dma_wait3A_121 : memref<16xi32, #tpu.memory_space<hbm>>) dst(%arg11 : memref<16xi32, #tpu.memory_space<vmem>>)
      tpu.yield
    }) : () -> ()
    %dma_start3A_94 = arith.constant 0 : i32
    %dma_start3A_95 = arith.constant 0 : i32
    %dma_start3A_96 = tpu.memref_slice %arg6[%dma_start3A_94, %dma_start3A_95] : memref<128x128xf32, #tpu.memory_space<vmem>> -> memref<16x128xf32, #tpu.memory_space<vmem>>
    %dma_start3A_97 = arith.constant 9984 : i32
    %dma_start3A_98 = tpu.memref_slice %arg10[%dma_start3A_97] : memref<10000xi32, #tpu.memory_space<vmem>> -> memref<16xi32, #tpu.memory_space<vmem>>
    %dma_start3A_99 = arith.constant 0 : i32
    %dma_start3A_100 = arith.constant 0 : i32
    %dma_start3A_101 = tpu.memref_slice %arg2[%dma_start3A_99, %dma_start3A_100] : memref<10000x128xf32, #tpu.memory_space<hbm>> -> memref<10000x128xf32, #tpu.memory_space<hbm>>
    tpu.enqueue_indirect_dma source(%dma_start3A_101 : memref<10000x128xf32, #tpu.memory_space<hbm>>) target(%dma_start3A_96 : memref<16x128xf32, #tpu.memory_space<vmem>>) offsets(%dma_start3A_98 : memref<16xi32, #tpu.memory_space<vmem>>) semaphore(%arg16 : memref<!tpu.dma_semaphore, #tpu.memory_space<semaphore_mem>>)
    %dma_wait3A_102 = arith.constant 0 : i32
    %dma_wait3A_103 = arith.constant 0 : i32
    %dma_wait3A_104 = tpu.memref_slice %arg6[%dma_wait3A_102, %dma_wait3A_103] : memref<128x128xf32, #tpu.memory_space<vmem>> -> memref<16x128xf32, #tpu.memory_space<vmem>>
    %dma_wait3A_105 = arith.constant 9984 : i32
    %dma_wait3A_106 = tpu.memref_slice %arg10[%dma_wait3A_105] : memref<10000xi32, #tpu.memory_space<vmem>> -> memref<16xi32, #tpu.memory_space<vmem>>
    %dma_wait3A_107 = arith.constant 0 : i32
    %dma_wait3A_108 = arith.constant 0 : i32
    %dma_wait3A_109 = tpu.memref_slice %arg2[%dma_wait3A_107, %dma_wait3A_108] : memref<10000x128xf32, #tpu.memory_space<hbm>> -> memref<10000x128xf32, #tpu.memory_space<hbm>>
    tpu.wait_indirect_dma semaphore(%arg16 : memref<!tpu.dma_semaphore, #tpu.memory_space<semaphore_mem>>) src(%dma_wait3A_109 : memref<10000x128xf32, #tpu.memory_space<hbm>>) dst(%dma_wait3A_104 : memref<16x128xf32, #tpu.memory_space<vmem>>)
    "tpu.region"() ({
      %run_scoped3A = tpu.sem_alloc : memref<!tpu.dma_semaphore, #tpu.memory_space<semaphore_mem>>
      %dma_start3A_118 = arith.constant 0 : i32
      %dma_start3A_119 = arith.constant 0 : i32
      %dma_start3A_120 = tpu.memref_slice %arg6[%dma_start3A_118, %dma_start3A_119] : memref<128x128xf32, #tpu.memory_space<vmem>> -> memref<16x128xf32, #tpu.memory_space<vmem>>
      %dma_start3A_121 = arith.constant 0 : i32
      %dma_start3A_122 = arith.constant 0 : i32
      %dma_start3A_123 = tpu.memref_slice %arg14[%dma_start3A_121, %dma_start3A_122] : memref<10240x128xf32, #tpu.memory_space<vmem_shared>> -> memref<10240x128xf32, #tpu.memory_space<vmem_shared>>
      tpu.enqueue_indirect_dma source(%dma_start3A_120 : memref<16x128xf32, #tpu.memory_space<vmem>>) target(%dma_start3A_123 : memref<10240x128xf32, #tpu.memory_space<vmem_shared>>) offsets(%arg11 : memref<16xi32, #tpu.memory_space<vmem>>) semaphore(%run_scoped3A : memref<!tpu.dma_semaphore, #tpu.memory_space<semaphore_mem>>) {add = true}
      %dma_wait3A_124 = arith.constant 0 : i32
      %dma_wait3A_125 = arith.constant 0 : i32
      %dma_wait3A_126 = tpu.memref_slice %arg6[%dma_wait3A_124, %dma_wait3A_125] : memref<128x128xf32, #tpu.memory_space<vmem>> -> memref<16x128xf32, #tpu.memory_space<vmem>>
      %dma_wait3A_127 = arith.constant 0 : i32
      %dma_wait3A_128 = arith.constant 0 : i32
      %dma_wait3A_129 = tpu.memref_slice %arg14[%dma_wait3A_127, %dma_wait3A_128] : memref<10240x128xf32, #tpu.memory_space<vmem_shared>> -> memref<10240x128xf32, #tpu.memory_space<vmem_shared>>
      tpu.wait_indirect_dma semaphore(%run_scoped3A : memref<!tpu.dma_semaphore, #tpu.memory_space<semaphore_mem>>) src(%dma_wait3A_126 : memref<16x128xf32, #tpu.memory_space<vmem>>) dst(%dma_wait3A_129 : memref<10240x128xf32, #tpu.memory_space<vmem_shared>>)
      tpu.yield
    }) : () -> ()
    "tpu.region"() ({
      %run_scoped3A = tpu.sem_alloc : memref<!tpu.dma_semaphore, #tpu.memory_space<semaphore_mem>>
      %dma_start3A_118 = arith.constant 0 : i32
      %dma_start3A_119 = tpu.memref_slice %arg12[%dma_start3A_118] : memref<128xf32, #tpu.memory_space<vmem>> -> memref<16xf32, #tpu.memory_space<vmem>>
      %dma_start3A_120 = arith.constant 0 : i32
      %dma_start3A_121 = tpu.memref_slice %arg15[%dma_start3A_120] : memref<10240xf32, #tpu.memory_space<vmem_shared>> -> memref<10240xf32, #tpu.memory_space<vmem_shared>>
      tpu.enqueue_indirect_dma source(%dma_start3A_119 : memref<16xf32, #tpu.memory_space<vmem>>) target(%dma_start3A_121 : memref<10240xf32, #tpu.memory_space<vmem_shared>>) offsets(%arg11 : memref<16xi32, #tpu.memory_space<vmem>>) semaphore(%run_scoped3A : memref<!tpu.dma_semaphore, #tpu.memory_space<semaphore_mem>>) {add = true}
      %dma_wait3A_122 = arith.constant 0 : i32
      %dma_wait3A_123 = tpu.memref_slice %arg12[%dma_wait3A_122] : memref<128xf32, #tpu.memory_space<vmem>> -> memref<16xf32, #tpu.memory_space<vmem>>
      %dma_wait3A_124 = arith.constant 0 : i32
      %dma_wait3A_125 = tpu.memref_slice %arg15[%dma_wait3A_124] : memref<10240xf32, #tpu.memory_space<vmem_shared>> -> memref<10240xf32, #tpu.memory_space<vmem_shared>>
      tpu.wait_indirect_dma semaphore(%run_scoped3A : memref<!tpu.dma_semaphore, #tpu.memory_space<semaphore_mem>>) src(%dma_wait3A_123 : memref<16xf32, #tpu.memory_space<vmem>>) dst(%dma_wait3A_125 : memref<10240xf32, #tpu.memory_space<vmem_shared>>)
      tpu.yield
    }) : () -> ()
    %barrier3A_110 = arith.constant 0 : index
    tpu.barrier barrier_id(%barrier3A_110)
    "tpu.trace_stop"() : () -> ()
    "tpu.trace_start"() <{level = 10 : i32, message = "writeback"}> : () -> ()
    %scan3A_111 = arith.constant 0 : i32
    %scan3A_112 = arith.constant 0 : i32
    %scan3A_113 = arith.constant 5 : i32
    %scan3A_114 = arith.addi %scan3A_112, %scan3A_113 : i32
    %scan3A_115 = arith.constant 1 : i32
    %scan3A_116 = scf.for %scan3A_118 = %scan3A_112 to %scan3A_114 step %scan3A_115 iter_args(%scan3A_119 = %scan3A_111) -> (i32)  : i32 {
      %mul3A_120 = arith.constant 128 : i32
      %mul3A_121 = arith.muli %scan3A_118, %mul3A_120 : i32
      %add3A_122 = arith.addi %mul3A_2, %mul3A_121 : i32
      "tpu.region"() ({
        %run_scoped3A = tpu.sem_alloc : memref<!tpu.dma_semaphore, #tpu.memory_space<semaphore_mem>>
        %dma_start3A_124 = arith.constant 0 : i32
        %dma_start3A_125 = tpu.memref_slice %arg14[%add3A_122, %dma_start3A_124] : memref<10240x128xf32, #tpu.memory_space<vmem_shared>> -> memref<128x128xf32, #tpu.memory_space<vmem_shared>>
        %dma_start3A_126 = arith.constant 0 : i32
        %dma_start3A_127 = tpu.memref_slice %arg14[%add3A_122, %dma_start3A_126] : memref<10240x128xf32, #tpu.memory_space<vmem_shared>> -> memref<128x128xf32, #tpu.memory_space<vmem_shared>>
        tpu.enqueue_dma source(%dma_start3A_127 : memref<128x128xf32, #tpu.memory_space<vmem_shared>>) target(%arg6 : memref<128x128xf32, #tpu.memory_space<vmem>>) target_semaphore(%run_scoped3A : memref<!tpu.dma_semaphore, #tpu.memory_space<semaphore_mem>>)
        %dma_wait3A_128 = arith.constant 0 : i32
        %dma_wait3A_129 = tpu.memref_slice %arg14[%add3A_122, %dma_wait3A_128] : memref<10240x128xf32, #tpu.memory_space<vmem_shared>> -> memref<128x128xf32, #tpu.memory_space<vmem_shared>>
        %dma_wait3A_130 = arith.constant 0 : i32
        %dma_wait3A_131 = tpu.memref_slice %arg14[%add3A_122, %dma_wait3A_130] : memref<10240x128xf32, #tpu.memory_space<vmem_shared>> -> memref<128x128xf32, #tpu.memory_space<vmem_shared>>
        tpu.wait_dma2 semaphore(%run_scoped3A : memref<!tpu.dma_semaphore, #tpu.memory_space<semaphore_mem>>) src(%dma_wait3A_131 : memref<128x128xf32, #tpu.memory_space<vmem_shared>>) dst(%arg6 : memref<128x128xf32, #tpu.memory_space<vmem>>)
        tpu.yield
      }) : () -> ()
      "tpu.region"() ({
        %run_scoped3A = tpu.sem_alloc : memref<!tpu.dma_semaphore, #tpu.memory_space<semaphore_mem>>
        %dma_start3A_124 = arith.constant 0 : i32
        %dma_start3A_125 = tpu.memref_slice %arg4[%arg0, %add3A_122, %dma_start3A_124] : memref<2x10240x128xf32, #tpu.memory_space<hbm>> -> memref<1x128x128xf32, #tpu.memory_space<hbm>>
        %dma_start3A_126 = tpu.memref_squeeze %dma_start3A_125 : memref<1x128x128xf32, #tpu.memory_space<hbm>> -> memref<128x128xf32, #tpu.memory_space<hbm>>
        %dma_start3A_127 = arith.constant 0 : i32
        %dma_start3A_128 = tpu.memref_slice %arg4[%arg0, %add3A_122, %dma_start3A_127] : memref<2x10240x128xf32, #tpu.memory_space<hbm>> -> memref<1x128x128xf32, #tpu.memory_space<hbm>>
        %dma_start3A_129 = tpu.memref_squeeze %dma_start3A_128 : memref<1x128x128xf32, #tpu.memory_space<hbm>> -> memref<128x128xf32, #tpu.memory_space<hbm>>
        tpu.enqueue_dma source(%arg6 : memref<128x128xf32, #tpu.memory_space<vmem>>) target(%dma_start3A_129 : memref<128x128xf32, #tpu.memory_space<hbm>>) target_semaphore(%run_scoped3A : memref<!tpu.dma_semaphore, #tpu.memory_space<semaphore_mem>>)
        %dma_wait3A_130 = arith.constant 0 : i32
        %dma_wait3A_131 = tpu.memref_slice %arg4[%arg0, %add3A_122, %dma_wait3A_130] : memref<2x10240x128xf32, #tpu.memory_space<hbm>> -> memref<1x128x128xf32, #tpu.memory_space<hbm>>
        %dma_wait3A_132 = tpu.memref_squeeze %dma_wait3A_131 : memref<1x128x128xf32, #tpu.memory_space<hbm>> -> memref<128x128xf32, #tpu.memory_space<hbm>>
        %dma_wait3A_133 = arith.constant 0 : i32
        %dma_wait3A_134 = tpu.memref_slice %arg4[%arg0, %add3A_122, %dma_wait3A_133] : memref<2x10240x128xf32, #tpu.memory_space<hbm>> -> memref<1x128x128xf32, #tpu.memory_space<hbm>>
        %dma_wait3A_135 = tpu.memref_squeeze %dma_wait3A_134 : memref<1x128x128xf32, #tpu.memory_space<hbm>> -> memref<128x128xf32, #tpu.memory_space<hbm>>
        tpu.wait_dma2 semaphore(%run_scoped3A : memref<!tpu.dma_semaphore, #tpu.memory_space<semaphore_mem>>) src(%arg6 : memref<128x128xf32, #tpu.memory_space<vmem>>) dst(%dma_wait3A_135 : memref<128x128xf32, #tpu.memory_space<hbm>>)
        tpu.yield
      }) : () -> ()
      "tpu.region"() ({
        %run_scoped3A = tpu.sem_alloc : memref<!tpu.dma_semaphore, #tpu.memory_space<semaphore_mem>>
        %dma_start3A_124 = tpu.memref_slice %arg15[%add3A_122] : memref<10240xf32, #tpu.memory_space<vmem_shared>> -> memref<128xf32, #tpu.memory_space<vmem_shared>>
        %dma_start3A_125 = tpu.memref_slice %arg15[%add3A_122] : memref<10240xf32, #tpu.memory_space<vmem_shared>> -> memref<128xf32, #tpu.memory_space<vmem_shared>>
        tpu.enqueue_dma source(%dma_start3A_125 : memref<128xf32, #tpu.memory_space<vmem_shared>>) target(%arg13 : memref<128xf32, #tpu.memory_space<vmem>>) target_semaphore(%run_scoped3A : memref<!tpu.dma_semaphore, #tpu.memory_space<semaphore_mem>>)
        %dma_wait3A_126 = tpu.memref_slice %arg15[%add3A_122] : memref<10240xf32, #tpu.memory_space<vmem_shared>> -> memref<128xf32, #tpu.memory_space<vmem_shared>>
        %dma_wait3A_127 = tpu.memref_slice %arg15[%add3A_122] : memref<10240xf32, #tpu.memory_space<vmem_shared>> -> memref<128xf32, #tpu.memory_space<vmem_shared>>
        tpu.wait_dma2 semaphore(%run_scoped3A : memref<!tpu.dma_semaphore, #tpu.memory_space<semaphore_mem>>) src(%dma_wait3A_127 : memref<128xf32, #tpu.memory_space<vmem_shared>>) dst(%arg13 : memref<128xf32, #tpu.memory_space<vmem>>)
        tpu.yield
      }) : () -> ()
      "tpu.region"() ({
        %run_scoped3A = tpu.sem_alloc : memref<!tpu.dma_semaphore, #tpu.memory_space<semaphore_mem>>
        %dma_start3A_124 = tpu.memref_slice %arg5[%arg0, %add3A_122] : memref<2x10240xf32, #tpu.memory_space<hbm>> -> memref<1x128xf32, #tpu.memory_space<hbm>>
        %dma_start3A_125 = tpu.memref_squeeze %dma_start3A_124 : memref<1x128xf32, #tpu.memory_space<hbm>> -> memref<128xf32, #tpu.memory_space<hbm>>
        %dma_start3A_126 = tpu.memref_slice %arg5[%arg0, %add3A_122] : memref<2x10240xf32, #tpu.memory_space<hbm>> -> memref<1x128xf32, #tpu.memory_space<hbm>>
        %dma_start3A_127 = tpu.memref_squeeze %dma_start3A_126 : memref<1x128xf32, #tpu.memory_space<hbm>> -> memref<128xf32, #tpu.memory_space<hbm>>
        tpu.enqueue_dma source(%arg13 : memref<128xf32, #tpu.memory_space<vmem>>) target(%dma_start3A_127 : memref<128xf32, #tpu.memory_space<hbm>>) target_semaphore(%run_scoped3A : memref<!tpu.dma_semaphore, #tpu.memory_space<semaphore_mem>>)
        %dma_wait3A_128 = tpu.memref_slice %arg5[%arg0, %add3A_122] : memref<2x10240xf32, #tpu.memory_space<hbm>> -> memref<1x128xf32, #tpu.memory_space<hbm>>
        %dma_wait3A_129 = tpu.memref_squeeze %dma_wait3A_128 : memref<1x128xf32, #tpu.memory_space<hbm>> -> memref<128xf32, #tpu.memory_space<hbm>>
        %dma_wait3A_130 = tpu.memref_slice %arg5[%arg0, %add3A_122] : memref<2x10240xf32, #tpu.memory_space<hbm>> -> memref<1x128xf32, #tpu.memory_space<hbm>>
        %dma_wait3A_131 = tpu.memref_squeeze %dma_wait3A_130 : memref<1x128xf32, #tpu.memory_space<hbm>> -> memref<128xf32, #tpu.memory_space<hbm>>
        tpu.wait_dma2 semaphore(%run_scoped3A : memref<!tpu.dma_semaphore, #tpu.memory_space<semaphore_mem>>) src(%arg13 : memref<128xf32, #tpu.memory_space<vmem>>) dst(%dma_wait3A_131 : memref<128xf32, #tpu.memory_space<hbm>>)
        tpu.yield
      }) : () -> ()
      %scan3A_123 = arith.constant 0 : i32
      scf.yield %scan3A_123 : i32
    }
    %scan3A_117 = arith.constant 5 : i32
    "tpu.trace_stop"() : () -> ()
    return
  }
}

module attributes {stable_mosaic.version = 14 : i64} {
  func.func @body(%arg0: i32, %arg1: memref<2x2000x128xf32, #tpu.memory_space<vmem>>, %arg2: memref<2000x1xf32, #tpu.memory_space<vmem>>, %arg3: memref<2000x128xf32, #tpu.memory_space<vmem>>, %arg4: memref<128x128xf32, #tpu.memory_space<vmem>>, %arg5: memref<1x128xf32, #tpu.memory_space<vmem>>, %arg6: memref<128x128xf32, #tpu.memory_space<vmem>>, %arg7: memref<2000x128xf32, #tpu.memory_space<vmem>>) attributes {dimension_semantics = [#tpu.dimension_semantics<arbitrary>], iteration_bounds = array<i64: 5>, scalar_prefetch = 0 : i64, scratch_operands = 0 : i64, tpu.core_type = #tpu.core_type<tc>, window_params = [{transform_indices = @transform_0, window_bounds = array<i64: 2, 2000, 128>}, {transform_indices = @transform_1, window_bounds = array<i64: 2000, 1>}, {transform_indices = @transform_2, window_bounds = array<i64: 2000, 128>}, {pipeline_mode = #tpu.pipeline_mode<synchronous>, transform_indices = @transform_3, window_bounds = array<i64: 128, 128>}, {pipeline_mode = #tpu.pipeline_mode<synchronous>, transform_indices = @transform_4, window_bounds = array<i64: 1, 128>}, {pipeline_mode = #tpu.pipeline_mode<synchronous>, transform_indices = @transform_5, window_bounds = array<i64: 128, 128>}, {transform_indices = @transform_6, window_bounds = array<i64: 2000, 128>}]} {
    %get3A = arith.constant 0 : index
    %get3A_0 = arith.constant 0 : index
    %get3A_1 = arith.constant 0 : index
    %get3A_2 = vector.load %arg1[%get3A, %get3A_0, %get3A_1] : memref<2x2000x128xf32, #tpu.memory_space<vmem>>, vector<1x2000x128xf32>
    %get3A_3 = vector.shape_cast %get3A_2 : vector<1x2000x128xf32> to vector<2000x128xf32>
    %get3A_4 = arith.constant 1 : index
    %get3A_5 = arith.constant 0 : index
    %get3A_6 = arith.constant 0 : index
    %get3A_7 = vector.load %arg1[%get3A_4, %get3A_5, %get3A_6] : memref<2x2000x128xf32, #tpu.memory_space<vmem>>, vector<1x2000x128xf32>
    %get3A_8 = vector.shape_cast %get3A_7 : vector<1x2000x128xf32> to vector<2000x128xf32>
    %add3A = arith.addf %get3A_3, %get3A_8 : vector<2000x128xf32>
    %get3A_9 = arith.constant 0 : index
    %get3A_10 = arith.constant 0 : index
    %get3A_11 = vector.load %arg2[%get3A_9, %get3A_10] : memref<2000x1xf32, #tpu.memory_space<vmem>>, vector<2000x1xf32>
    %max3A = arith.constant 1.000000e+00 : f32
    %max3A_12 = vector.broadcast %max3A : f32 to vector<2000x1xf32>
    %max3A_13 = arith.maximumf %get3A_11, %max3A_12 : vector<2000x1xf32>
    %div3A = vector.broadcast %max3A_13 : vector<2000x1xf32> to vector<2000x128xf32>
    %div3A_14 = arith.divf %add3A, %div3A : vector<2000x128xf32>
    %get3A_15 = arith.constant 0 : index
    %get3A_16 = arith.constant 0 : index
    %get3A_17 = vector.load %arg4[%get3A_15, %get3A_16] : memref<128x128xf32, #tpu.memory_space<vmem>>, vector<128x128xf32>
    %dot_general3A = arith.constant dense<0.000000e+00> : vector<2000x128xf32>
    %dot_general3A_18 = tpu.matmul %div3A_14, %get3A_17, %dot_general3A {dimension_numbers = #tpu.dot_dimension_numbers<[1], [0], [0], [1], [0, 0, 1, 1], [], []>, transpose_lhs_hint = false} : vector<2000x128xf32>, vector<128x128xf32>, vector<2000x128xf32> -> vector<2000x128xf32>
    %get3A_19 = arith.constant 0 : index
    %get3A_20 = arith.constant 0 : index
    %get3A_21 = vector.load %arg5[%get3A_19, %get3A_20] : memref<1x128xf32, #tpu.memory_space<vmem>>, vector<1x128xf32>
    %add3A_22 = vector.broadcast %get3A_21 : vector<1x128xf32> to vector<2000x128xf32>
    %add3A_23 = arith.addf %dot_general3A_18, %add3A_22 : vector<2000x128xf32>
    %get3A_24 = arith.constant 0 : index
    %get3A_25 = arith.constant 0 : index
    %get3A_26 = vector.load %arg3[%get3A_24, %get3A_25] : memref<2000x128xf32, #tpu.memory_space<vmem>>, vector<2000x128xf32>
    %get3A_27 = arith.constant 0 : index
    %get3A_28 = arith.constant 0 : index
    %get3A_29 = vector.load %arg6[%get3A_27, %get3A_28] : memref<128x128xf32, #tpu.memory_space<vmem>>, vector<128x128xf32>
    %dot_general3A_30 = arith.constant dense<0.000000e+00> : vector<2000x128xf32>
    %dot_general3A_31 = tpu.matmul %get3A_26, %get3A_29, %dot_general3A_30 {dimension_numbers = #tpu.dot_dimension_numbers<[1], [0], [0], [1], [0, 0, 1, 1], [], []>, transpose_lhs_hint = false} : vector<2000x128xf32>, vector<128x128xf32>, vector<2000x128xf32> -> vector<2000x128xf32>
    %add3A_32 = arith.addf %add3A_23, %dot_general3A_31 : vector<2000x128xf32>
    %max3A_33 = arith.constant 0.000000e+00 : f32
    %max3A_34 = vector.broadcast %max3A_33 : f32 to vector<2000x128xf32>
    %max3A_35 = arith.maximumf %add3A_32, %max3A_34 : vector<2000x128xf32>
    %swap3A = arith.constant 0 : index
    %swap3A_36 = arith.constant 0 : index
    %swap3A_37 = vector.load %arg7[%swap3A, %swap3A_36] : memref<2000x128xf32, #tpu.memory_space<vmem>>, vector<2000x128xf32>
    tpu.vector_store %arg7[%swap3A, %swap3A_36], %max3A_35 {strides = array<i32>} : memref<2000x128xf32, #tpu.memory_space<vmem>>, vector<2000x128xf32>,
    return
  }
  func.func @transform_0(%arg0: i32) -> (i32, i32, i32) {
    %c0_i32 = arith.constant 0 : i32
    %c0_i32_0 = arith.constant 0 : i32
    %c0_i32_1 = arith.constant 0 : i32
    return %c0_i32, %arg0, %c0_i32_0 : i32, i32, i32
  }
  func.func @transform_1(%arg0: i32) -> (i32, i32) {
    %c0_i32 = arith.constant 0 : i32
    %c0_i32_0 = arith.constant 0 : i32
    return %arg0, %c0_i32 : i32, i32
  }
  func.func @transform_2(%arg0: i32) -> (i32, i32) {
    %c0_i32 = arith.constant 0 : i32
    %c0_i32_0 = arith.constant 0 : i32
    return %arg0, %c0_i32 : i32, i32
  }
  func.func @transform_3(%arg0: i32) -> (i32, i32) {
    %c0_i32 = arith.constant 0 : i32
    %c0_i32_0 = arith.constant 0 : i32
    %c0_i32_1 = arith.constant 0 : i32
    return %c0_i32, %c0_i32_0 : i32, i32
  }
  func.func @transform_4(%arg0: i32) -> (i32, i32) {
    %c0_i32 = arith.constant 0 : i32
    %c0_i32_0 = arith.constant 0 : i32
    %c0_i32_1 = arith.constant 0 : i32
    return %c0_i32, %c0_i32_0 : i32, i32
  }
  func.func @transform_5(%arg0: i32) -> (i32, i32) {
    %c0_i32 = arith.constant 0 : i32
    %c0_i32_0 = arith.constant 0 : i32
    %c0_i32_1 = arith.constant 0 : i32
    return %c0_i32, %c0_i32_0 : i32, i32
  }
  func.func @transform_6(%arg0: i32) -> (i32, i32) {
    %c0_i32 = arith.constant 0 : i32
    %c0_i32_0 = arith.constant 0 : i32
    return %arg0, %c0_i32 : i32, i32
  }
}

module attributes {stable_mosaic.version = 14 : i64} {
  func.func @body(%arg0: i32, %arg1: memref<2x2000x128xf32, #tpu.memory_space<vmem>>, %arg2: memref<2000x1xf32, #tpu.memory_space<vmem>>, %arg3: memref<2000x128xf32, #tpu.memory_space<vmem>>, %arg4: memref<128x128xf32, #tpu.memory_space<vmem>>, %arg5: memref<1x128xf32, #tpu.memory_space<vmem>>, %arg6: memref<128x128xf32, #tpu.memory_space<vmem>>, %arg7: memref<2000x128xf32, #tpu.memory_space<vmem>>) attributes {dimension_semantics = [#tpu.dimension_semantics<arbitrary>], iteration_bounds = array<i64: 5>, scalar_prefetch = 0 : i64, scratch_operands = 0 : i64, tpu.core_type = #tpu.core_type<tc>, window_params = [{transform_indices = @transform_0, window_bounds = array<i64: 2, 2000, 128>}, {transform_indices = @transform_1, window_bounds = array<i64: 2000, 1>}, {transform_indices = @transform_2, window_bounds = array<i64: 2000, 128>}, {pipeline_mode = #tpu.pipeline_mode<synchronous>, transform_indices = @transform_3, window_bounds = array<i64: 128, 128>}, {pipeline_mode = #tpu.pipeline_mode<synchronous>, transform_indices = @transform_4, window_bounds = array<i64: 1, 128>}, {pipeline_mode = #tpu.pipeline_mode<synchronous>, transform_indices = @transform_5, window_bounds = array<i64: 128, 128>}, {transform_indices = @transform_6, window_bounds = array<i64: 2000, 128>}]} {
    %get3A = arith.constant 0 : index
    %get3A_0 = arith.constant 0 : index
    %get3A_1 = arith.constant 0 : index
    %get3A_2 = vector.load %arg1[%get3A, %get3A_0, %get3A_1] : memref<2x2000x128xf32, #tpu.memory_space<vmem>>, vector<1x2000x128xf32>
    %get3A_3 = vector.shape_cast %get3A_2 : vector<1x2000x128xf32> to vector<2000x128xf32>
    %get3A_4 = arith.constant 1 : index
    %get3A_5 = arith.constant 0 : index
    %get3A_6 = arith.constant 0 : index
    %get3A_7 = vector.load %arg1[%get3A_4, %get3A_5, %get3A_6] : memref<2x2000x128xf32, #tpu.memory_space<vmem>>, vector<1x2000x128xf32>
    %get3A_8 = vector.shape_cast %get3A_7 : vector<1x2000x128xf32> to vector<2000x128xf32>
    %add3A = arith.addf %get3A_3, %get3A_8 : vector<2000x128xf32>
    %get3A_9 = arith.constant 0 : index
    %get3A_10 = arith.constant 0 : index
    %get3A_11 = vector.load %arg2[%get3A_9, %get3A_10] : memref<2000x1xf32, #tpu.memory_space<vmem>>, vector<2000x1xf32>
    %max3A = arith.constant 1.000000e+00 : f32
    %max3A_12 = vector.broadcast %max3A : f32 to vector<2000x1xf32>
    %max3A_13 = arith.maximumf %get3A_11, %max3A_12 : vector<2000x1xf32>
    %div3A = vector.broadcast %max3A_13 : vector<2000x1xf32> to vector<2000x128xf32>
    %div3A_14 = arith.divf %add3A, %div3A : vector<2000x128xf32>
    %get3A_15 = arith.constant 0 : index
    %get3A_16 = arith.constant 0 : index
    %get3A_17 = vector.load %arg4[%get3A_15, %get3A_16] : memref<128x128xf32, #tpu.memory_space<vmem>>, vector<128x128xf32>
    %dot_general3A = arith.constant dense<0.000000e+00> : vector<2000x128xf32>
    %dot_general3A_18 = tpu.matmul %div3A_14, %get3A_17, %dot_general3A {dimension_numbers = #tpu.dot_dimension_numbers<[1], [0], [0], [1], [0, 0, 1, 1], [], []>, transpose_lhs_hint = false} : vector<2000x128xf32>, vector<128x128xf32>, vector<2000x128xf32> -> vector<2000x128xf32>
    %get3A_19 = arith.constant 0 : index
    %get3A_20 = arith.constant 0 : index
    %get3A_21 = vector.load %arg5[%get3A_19, %get3A_20] : memref<1x128xf32, #tpu.memory_space<vmem>>, vector<1x128xf32>
    %add3A_22 = vector.broadcast %get3A_21 : vector<1x128xf32> to vector<2000x128xf32>
    %add3A_23 = arith.addf %dot_general3A_18, %add3A_22 : vector<2000x128xf32>
    %get3A_24 = arith.constant 0 : index
    %get3A_25 = arith.constant 0 : index
    %get3A_26 = vector.load %arg3[%get3A_24, %get3A_25] : memref<2000x128xf32, #tpu.memory_space<vmem>>, vector<2000x128xf32>
    %get3A_27 = arith.constant 0 : index
    %get3A_28 = arith.constant 0 : index
    %get3A_29 = vector.load %arg6[%get3A_27, %get3A_28] : memref<128x128xf32, #tpu.memory_space<vmem>>, vector<128x128xf32>
    %dot_general3A_30 = arith.constant dense<0.000000e+00> : vector<2000x128xf32>
    %dot_general3A_31 = tpu.matmul %get3A_26, %get3A_29, %dot_general3A_30 {dimension_numbers = #tpu.dot_dimension_numbers<[1], [0], [0], [1], [0, 0, 1, 1], [], []>, transpose_lhs_hint = false} : vector<2000x128xf32>, vector<128x128xf32>, vector<2000x128xf32> -> vector<2000x128xf32>
    %add3A_32 = arith.addf %add3A_23, %dot_general3A_31 : vector<2000x128xf32>
    %swap3A = arith.constant 0 : index
    %swap3A_33 = arith.constant 0 : index
    %swap3A_34 = vector.load %arg7[%swap3A, %swap3A_33] : memref<2000x128xf32, #tpu.memory_space<vmem>>, vector<2000x128xf32>
    tpu.vector_store %arg7[%swap3A, %swap3A_33], %add3A_32 {strides = array<i32>} : memref<2000x128xf32, #tpu.memory_space<vmem>>, vector<2000x128xf32>,
    return
  }
  func.func @transform_0(%arg0: i32) -> (i32, i32, i32) {
    %c0_i32 = arith.constant 0 : i32
    %c0_i32_0 = arith.constant 0 : i32
    %c0_i32_1 = arith.constant 0 : i32
    return %c0_i32, %arg0, %c0_i32_0 : i32, i32, i32
  }
  func.func @transform_1(%arg0: i32) -> (i32, i32) {
    %c0_i32 = arith.constant 0 : i32
    %c0_i32_0 = arith.constant 0 : i32
    return %arg0, %c0_i32 : i32, i32
  }
  func.func @transform_2(%arg0: i32) -> (i32, i32) {
    %c0_i32 = arith.constant 0 : i32
    %c0_i32_0 = arith.constant 0 : i32
    return %arg0, %c0_i32 : i32, i32
  }
  func.func @transform_3(%arg0: i32) -> (i32, i32) {
    %c0_i32 = arith.constant 0 : i32
    %c0_i32_0 = arith.constant 0 : i32
    %c0_i32_1 = arith.constant 0 : i32
    return %c0_i32, %c0_i32_0 : i32, i32
  }
  func.func @transform_4(%arg0: i32) -> (i32, i32) {
    %c0_i32 = arith.constant 0 : i32
    %c0_i32_0 = arith.constant 0 : i32
    %c0_i32_1 = arith.constant 0 : i32
    return %c0_i32, %c0_i32_0 : i32, i32
  }
  func.func @transform_5(%arg0: i32) -> (i32, i32) {
    %c0_i32 = arith.constant 0 : i32
    %c0_i32_0 = arith.constant 0 : i32
    %c0_i32_1 = arith.constant 0 : i32
    return %c0_i32, %c0_i32_0 : i32, i32
  }
  func.func @transform_6(%arg0: i32) -> (i32, i32) {
    %c0_i32 = arith.constant 0 : i32
    %c0_i32_0 = arith.constant 0 : i32
    return %arg0, %c0_i32 : i32, i32
  }
}

</mosaic_0001>

<sc_bundles>
// kernel: kernel.6.cloned.1.call-start
scs
__scs_entry_jumppad:
0x0: {  	(pc) =	sbr.rel $0x88, $3  }
0x1: {  	(tag) =	ssettag $0x0;
	lr =	simm.s32 $0x1  }
0x2: {  	[smem:$0x3F99] =	sst lr;
	_ =	strace $0xD0000000  }
0x3: {  	_ = 	snop  }
0x4: {  	_ = 	snop  }
0x5: {  	_ = 	snop  }
0x6: {  	_ = 	snop  }
0x7: {  	_ = 	snop  }
__scs_overlays_trampoline_lowered:
0x8: {  	[smem:$0x3FA8] =	sst s0  }
0x9: {  	[smem:$0x3FA9] =	sst s1  }
0xa: {  	[smem:$0x3FAA] =	sst s2  }
0xb: {  	[smem:$0x3FAB] =	sst s3  }
0xc: {  	[smem:$0x3FAC] =	sst s4  }
0xd: {  	[smem:$0x3FAD] =	sst s5  }
0xe: {  	[smem:$0x3FAE] =	sst s6  }
0xf: {  	[smem:$0x3FAF] =	sst s7  }
0x10: {  	[smem:$0x3FB0] =	sst s8  }
0x11: {  	[smem:$0x3FB1] =	sst s9;
	s0 =	simm.s32 @!p0 $0x0  }
0x12: {  	s1 =	sld [smem:$0x3F97];
	s0 =	simm.s32 @p0 $0x1  }
0x13: {  	[smem:$0x3FB2] =	sst s0;
	s0 =	simm.s32 @!p1 $0x0  }
0x14: {  	s2 =	sld [smem:$0x3F96];
	s0 =	simm.s32 @p1 $0x1  }
0x15: {  	[smem:$0x3FB3] =	sst s0;
	s0 =	simm.s32 @!p2 $0x0  }
0x16: {  	s3 =	sld [smem:$0x3FDB];
	s0 =	simm.s32 @p2 $0x1  }
0x17: {  	s4 =	simm.s32 $0x1BF5;
	[smem:$0x3FB5] =	sst s0  }
0x18: {  	s0 =	sld [smem:$0x3F98];
	_ =	swait.ge [sflag:s4], $0x0  }
0x19: {  	s7 =	sld [smem:$0x3F99]  }
0x1a: {  	s8 =	sadd.s32 $0xFFFFE003, lr  }
0x1b: {  	s9 =	sadd.s32 $0xFFFFFEF7, lr;
	s5 =	simm.s32 $0xFFFFFFFF;
	p2 =	slt.u32 s8, $0xFFFFF086  }
0x1c: {  	p1 =	slt.u32 s9, $0xF7A;
	s5 =	simm.s32 @!p2 $0x0  }
0x1d: {  	s5 =	simm.s32 @p1 $0x1;
	p0 =	seq.s32 s7, s2  }
0x1e: {  	s7 =	smul.u32 @!p0 $0xF7A, s2;
	p2 =	seq.s32 @!p0 s5, $0x0  }
0x1f: {  	s9 =	smul.u32 $0xF7A, s1;
	s8 =	simm.s32 @!p0 $0x1BF5;
	p2 =	por !p2, p0  }
0x20: {  	[sflag:s8] =	ssyncset.s32 @!p0 $0xFFFFF086;
	s6 =	sadd.s32 @!p0 s3, s7;
	s7 =	simm.s32 @!p0 $0x108  }
0x21: {  	s3 =	sadd.s32 s3, s9;
	s6 =	sadd.s32 @!p0 $0x88, s6;
	s7 =	simm.s32 @p2 $0x1082  }
0x22: {  	[simem:s7], [sflag:s8] =	dma.local @!p0 [hbm:s6], $0xF7A  }
0x23: {  	s9 =	sor.u32 $0xD0000000, s2;
	s6 =	simm.s32 $0x108;
	_ =	swait.ge @!p0 [sflag:s8], $0x0  }
0x24: {  	s3 =	sadd.s32 $0x88, s3;
	s6 =	simm.s32 @!p1 $0x1082;
	[sflag:s4] =	ssyncset.s32 $0xFFFFF086  }
0x25: {  	[simem:s6], [sflag:s4] =	dma.local [hbm:s3], $0xF7A  }
0x26: {  	[smem:$0x3F99] =	sst s1;
	(tag) =	ssettag s2;
	_ =	strace s9  }
0x27: {  	s1 =	sld [smem:$0x3FA9]  }
0x28: {  	s2 =	sld [smem:$0x3FAA]  }
0x29: {  	s4 =	sld [smem:$0x3FAC]  }
0x2a: {  	p0 =	seq.s32 s5, $0x0;
	s5 =	sld [smem:$0x3FAD]  }
0x2b: {  	s6 =	sld [smem:$0x3FAE]  }
0x2c: {  	s7 =	sld [smem:$0x3FAF]  }
0x2d: {  	s3 =	simm.s32 $0x108;
	s8 =	sld [smem:$0x3FB0]  }
0x2e: {  	s3 =	simm.s32 @!p0 $0x1082;
	s9 =	sld [smem:$0x3FB1]  }
0x2f: {  	lr =	sadd.s32 s0, s3;
	s0 =	sld [smem:$0x3FA8]  }
0x30: {  	s3 =	sld [smem:$0x3FAB]  }
0x31: {  	[smem:$0x3FB4] =	sst s10  }
0x32: {  	s10 =	sld [smem:$0x3FB2];
	_ =	sdelay $0x3  }
0x33: {  	p0 =	seq.s32 s10, $0x1;
	s10 =	sld [smem:$0x3FB4];
	_ =	sdelay $0x3  }
0x34: {  	[smem:$0x3FB4] =	sst s10  }
0x35: {  	s10 =	sld [smem:$0x3FB3];
	_ =	sdelay $0x3  }
0x36: {  	p1 =	seq.s32 s10, $0x1;
	s10 =	sld [smem:$0x3FB4];
	_ =	sdelay $0x3  }
0x37: {  	[smem:$0x3FB4] =	sst s10  }
0x38: {  	s10 =	sld [smem:$0x3FB5]  }
0x39: {  	_ = 	snop;
	(pc) =	sbr.ind lr, $3  }
0x3a: {  	_ = 	snop  }
0x3b: {  	_ = 	snop  }
0x3c: {  	p2 =	seq.s32 s10, $0x1;
	s10 =	sld [smem:$0x3FB4]  }
0x3d: {  	_ =	shalt  }
0x3e: {  	_ =	shalt  }
0x3f: {  	_ =	shalt  }
0x40: {  	_ =	shalt  }
0x41: {  	_ =	shalt  }
0x42: {  	_ =	shalt  }
0x43: {  	_ =	shalt  }
0x44: {  	_ =	shalt  }
0x45: {  	_ =	shalt  }
0x46: {  	_ =	shalt  }
0x47: {  	_ =	shalt  }
0x48: {  	_ =	shalt  }
0x49: {  	_ =	shalt  }
0x4a: {  	_ =	shalt  }
0x4b: {  	_ =	shalt  }
0x4c: {  	_ =	shalt  }
0x4d: {  	_ =	shalt  }
0x4e: {  	_ =	shalt  }
0x4f: {  	_ =	shalt  }
0x50: {  	_ =	shalt  }
0x51: {  	_ =	shalt  }
0x52: {  	_ =	shalt  }
0x53: {  	_ =	shalt  }
0x54: {  	_ =	shalt  }
0x55: {  	_ =	shalt  }
0x56: {  	_ =	shalt  }
0x57: {  	_ =	shalt  }
0x58: {  	_ =	shalt  }
0x59: {  	_ =	shalt  }
0x5a: {  	_ =	shalt  }
0x5b: {  	_ =	shalt  }
0x5c: {  	_ =	shalt  }
0x5d: {  	_ =	shalt  }
0x5e: {  	_ =	shalt  }
0x5f: {  	_ =	shalt  }
0x60: {  	_ =	shalt  }
0x61: {  	_ =	shalt  }
0x62: {  	_ =	shalt  }
0x63: {  	_ =	shalt  }
0x64: {  	_ =	shalt  }
0x65: {  	_ =	shalt  }
0x66: {  	_ =	shalt  }
0x67: {  	_ =	shalt  }
0x68: {  	_ =	shalt  }
0x69: {  	_ =	shalt  }
0x6a: {  	_ =	shalt  }
0x6b: {  	_ =	shalt  }
0x6c: {  	_ =	shalt  }
0x6d: {  	_ =	shalt  }
0x6e: {  	_ =	shalt  }
0x6f: {  	_ =	shalt  }
0x70: {  	_ =	shalt  }
0x71: {  	_ =	shalt  }
0x72: {  	_ =	shalt  }
0x73: {  	_ =	shalt  }
0x74: {  	_ =	shalt  }
0x75: {  	_ =	shalt  }
0x76: {  	_ =	shalt  }
0x77: {  	_ =	shalt  }
0x78: {  	_ =	shalt  }
0x79: {  	_ =	shalt  }
0x7a: {  	_ =	shalt  }
0x7b: {  	_ =	shalt  }
0x7c: {  	_ =	shalt  }
0x7d: {  	_ =	shalt  }
0x7e: {  	_ =	shalt  }
0x7f: {  	_ =	shalt  }
0x80: {  	_ =	shalt  }
0x81: {  	_ =	shalt  }
0x82: {  	_ =	shalt  }
0x83: {  	_ =	shalt  }
0x84: {  	_ =	shalt  }
0x85: {  	_ =	shalt  }
0x86: {  	_ =	shalt  }
0x87: {  	_ =	shalt  }
.Lfunc_end0:
.L_simem_size_0:
called_computation_lowered:
.L_overlay_start_0:
0x88: {  	s2 =	sld [smem:$0x3FD9]  }
0x89: {  	s3 =	sld [smem:$0x3FFE];
	_ =	sdelay $0x1  }
0x8a: {  	s1 =	srdreg.scid  }
0x8b: {  	s0 =	sand.u32 $0x1, s1  }
0x8c: {  	s17 =	sshll.u32 s0, $0xA;
	s2 =	sadd.s32 s3, s2  }
0x8d: {  	s2 =	sadd.s32 s2, s17  }
0x8e: {  	[smem:$0x3FC0] =	sst s2  }
0x8f: {  	_ = 	snop  }
0x90: {  	s2 =	sld [smem:$0x3FC9]  }
0x91: {  	s18 =	sld [smem:$0x3FD0];
	(tm) =	ssettm $0x1  }
0x92: {  	s4 =	sld [smem:$0x3FFB];
	_ =	sdelay $0x3  }
0x93: {  	_ =	strace s4  }
0x94: {  	s4 =	sld [smem:$0x3FFC];
	_ =	sdelay $0x3  }
0x95: {  	_ =	strace s4  }
0x96: {  	s4 =	sld [smem:$0x3FFD];
	_ =	sdelay $0x3  }
0x97: {  	_ =	strace s4  }
0x98: {  	_ =	strace $0x8FFFFFFF  }
0x99: {  	s19 =	sld [smem:$0x3FDB];
	_ =	sdelay $0x1  }
0x9a: {  	s5 =	simm.s32 $_scs_section_size  }
0x9b: {  	s6 =	simm.s32 $_size__tile_overlayer_lowered;
	s7 =	simm.s32 $_tile_overlayer_lowered  }
0x9c: {  	s22 =	simm.s32 $0x1BFF;
	s21 =	sshll.u32 s7, $0x1;
	s4 =	sadd.s32 s5, s19  }
0x9d: {  	s8 =	simm.s32 $0x0;
	s20 =	sshll.u32 s6, $0x1;
	s6 =	sadd.s32 s21, s4  }
0x9e: {  	[timem:s8], [sflag:s22] =	dma.local [hbm:s6], s20  }
0x9f: {  	_ =	swait.ge [sflag:s22], s20  }
0xa0: {  	s5 =	ssub.s32 $0x0, s20;
	[sflag:s22] =	ssyncset.done $0x0  }
0xa1: {  	[sflag:s22] =	ssyncadd.s32 s5;
	_ =	sdelay $0x1  }
0xa2: {  	s23 =	simm.s32 $0x1B8B  }
0xa3: {  	_ =	swait.ge [sflag:s23], $0x1  }
0xa4: {  	[sflag:s23] =	ssyncset.done $0x0  }
0xa5: {  	s25 =	simm.s32 $0x1B8E;
	s24 =	sld [smem:$0x3FFE];
	[sflag:s23] =	ssyncadd.s32 $0xFFFFFFFF  }
0xa6: {  	s26 =	simm.s32 $execute0_lowered;
	[smem:$0x3FD2] =	sst s25  }
0xa7: {  	s6 =	sshll.u32 s26, $0x1;
	_ =	strace $0x80000046;
	[dreg:$0x1] =	wrdreg $0xFFFFFFFF  }
0xa8: {  	s28 =	simm.s32 $_size_execute0_lowered;
	s4 =	sadd.s32 s4, s6;
	[dreg:$0x0] =	wrdreg $0x0  }
0xa9: {  	s6 =	sshll.u32 s28, $0x1;
	[dreg:$0x2] =	wrdreg s4  }
0xaa: {  	[dreg:$0x3] =	wrdreg s6  }
0xab: {  	[dreg:$0x4] =	wrdreg $0xC0  }
0xac: {  	_ =	task [dreg:s8], $0x5FFFF  }
0xad: {  	[dreg:$0x1] =	wrdreg $0xFFFFFFFF  }
0xae: {  	[dreg:$0x0] =	wrdreg $0x60  }
0xaf: {  	[dreg:$0x2] =	wrdreg s2  }
0xb0: {  	[dreg:$0x3] =	wrdreg s24  }
0xb1: {  	[dreg:$0x4] =	wrdreg s18  }
0xb2: {  	[dreg:$0x5] =	wrdreg $0xAA000  }
0xb3: {  	[dreg:$0x6] =	wrdreg $0x1EA000  }
0xb4: {  	[dreg:$0x7] =	wrdreg $0x9  }
0xb5: {  	_ =	task.clear_ibuf [dreg:s8], $0x8FFFF;
	_ =	strace $0x90000046  }
0xb6: {  	s29 =	simm.s32 $0x9;
	_ =	strace $0x8000004B  }
0xb7: {  	_ =	swait.ge [sflag:s29], $0x1  }
0xb8: {  	[sflag:s29] =	ssyncadd.s32 $0xFFFFFFFF  }
0xb9: {  	_ =	strace $0x9000004B  }
0xba: {  	_ =	sfence  }
0xbb: {  	s30 =	sld [smem:$0x0];
	_ =	sdelay $0x2  }
0xbc: {  	s31 =	sshll.u32 s1, $0xD;
	s1 =	sshrl.u32 s1, $0x2  }
0xbd: {  	s3 =	sand.u32 $0x4000, s31;
	s1 =	sadd.s32 s1, s30  }
0xbe: {  	s0 =	sor.u32 s3, s0;
	s1 =	sshll.u32 s1, $0x11  }
0xbf: {  	s0 =	sor.u32 s1, s0  }
0xc0: {  	s0 =	sadd.s32 $0x8F2B, s0  }
0xc1: {  	[sflag:s0] =	ssyncadd.remote.s32 $0x1  }
0xc2: {  	_ =	sfence.sel $0xFFFF  }
0xc3: {  	[dreg:$0x0] =	wrdreg $0xFFFFFFFF;
	(pc) =	sbr.abs _section_cstart, $3  }
0xc4: {  	[dreg:$0x1] =	wrdreg $0xFFFFFFFF  }
0xc5: {  	_ =	task.clear_ibuf [dreg:s8], $0x2FFFF;
	_ =	strace $0x9FFFFFFF  }
0xc6: {  	(tm) =	ssettm $0x7FFFFFFF  }
0xc7: {  	_ =	shalt  }
tec
execute0_lowered:
.L_overlay_start_1:
0x0: {  	(tag) =	ssettag $0x1  }
0x1: {  	s0 =	srdreg.scid  }
0x2: {  	s20 =	stileid.u32;
	s9 =	rddreg [dreg:$0x1]  }
0x3: {  	s13 =	rddreg [dreg:$0x2];
	s10 =	sand.u32 $0x1, s0;
	s0 =	smul.u32 $0x280, s20  }
0x4: {  	s31 =	simm.s32 $0x4;
	s23 =	sshll.u32 s20, $0x1;
	s6 =	smul.u32 $0x14000, s20  }
0x5: {  	s11 =	sadd.s32 $0x16000, s9;
	s17 =	smul.u32 $0x500, s20;
	s9 =	sadd.s32 $0x2600, s9  }
0x6: {  	s1 =	ssub.s32 $0x2, s10;
	s2 =	sor.u32 s10, s23;
	s15 =	smul.u32 $0x140000, s10  }
0x7: {  	s16 =	sshll.u32 s10, $0x7;
	s3 =	sshrl.u32 s1, $0x1;
	s14 =	smul.u32 $0x2710, s2  }
0x8: {  	s2 =	sadd.s32 $0x80, s0;
	s4 =	sadd.s32 $0x180, s0;
	s17 =	sor.u32 s16, s17  }
0x9: {  	s3 =	ssub.s32 s1, s3;
	s1 =	sadd.s32 $0x100, s0;
	s7 =	sshll.u32 s2, $0x7  }
0xa: {  	s12 =	sadd.s32 s15, s6;
	s8 =	sshll.u32 s4, $0x7;
	s6 =	sadd.s32 $0x200, s0  }
0xb: {  	s17 =	sshrl.u32 s17, $0x3;
	s19 =	sshll.u32 s2, $0x1;
	s5 =	sshll.u32 s1, $0x7  }
0xc: {  	s18 =	sshrl.u32 s12, $0x3;
	s12 =	sshll.u32 s6, $0x7;
	s24 =	sadd.s32 s15, s7  }
0xd: {  	s17 =	sadd.s32 s13, s17;
	s26 =	sor.u32 s16, s19;
	s23 =	sshll.u32 s1, $0x1  }
0xe: {  	s14 =	sshrl.u32 s14, $0x3;
	s3 =	smax.u32 s3, $0x1;
	s18 =	sadd.s32 s11, s18  }
0xf: {  	[dreg:$0x7] =	wrdreg s17;
	s25 =	sshrl.u32 s24, $0x3;
	s19 =	sshrl.u32 s26, $0x3  }
0x10: {  	s21 =	sadd.s32 s15, s5;
	s24 =	sor.u32 s16, s23;
	s26 =	sshll.u32 s4, $0x1  }
0x11: {  	[dreg:$0x6] =	wrdreg s18;
	s17 =	sadd.s32 s11, s25;
	s22 =	sshrl.u32 s21, $0x3  }
0x12: {  	s25 =	sadd.s32 s15, s8;
	s21 =	smul.u32 $0x2710, s10;
	s10 =	rddreg [dreg:$0x0]  }
0x13: {  	s15 =	sadd.s32 s15, s12;
	[dreg:$0x8] =	wrdreg s17;
	s17 =	sadd.s32 s13, s19  }
0x14: {  	s18 =	sshrl.u32 s25, $0x3;
	s15 =	sshrl.u32 s15, $0x3;
	s19 =	smul.u32 $0x4E20, s20  }
0x15: {  	s25 =	smul.u32 $0x50000, s20;
	[dreg:$0x9] =	wrdreg s17;
	s17 =	sadd.s32 s11, s22  }
0x16: {  	s18 =	sadd.s32 s11, s18;
	s11 =	sadd.s32 s11, s15;
	[dreg:$0xa] =	wrdreg s17  }
0x17: {  	s15 =	sshll.u32 s6, $0x1;
	s17 =	sshrl.u32 s24, $0x3;
	[dreg:$0xb] =	wrdreg s18  }
0x18: {  	s18 =	sor.u32 s16, s26;
	[dreg:$0xc] =	wrdreg s11;
	s11 =	sor.u32 s16, s15  }
0x19: {  	s23 =	sadd.s32 s21, s19;
	s21 =	sadd.s32 s9, s14;
	s16 =	rddreg [dreg:$0x4]  }
0x1a: {  	s26 =	sshrl.u32 s25, $0x2;
	s18 =	sshrl.u32 s18, $0x3;
	s17 =	sadd.s32 s13, s17  }
0x1b: {  	s22 =	sshrl.u32 s11, $0x3;
	s11 =	simm.s32 $0x0;
	[dreg:$0xd] =	wrdreg s17  }
0x1c: {  	s0 =	sadd.s32 s0, s16;
	s15 =	sadd.s32 s13, s18;
	[smem:$0x7FF] =	sst s11  }
0x1d: {  	s14 =	sadd.s32 s2, s16;
	s13 =	sadd.s32 s13, s22;
	[dreg:$0xe] =	wrdreg s15  }
0x1e: {  	s25 =	sadd.s32 s1, s16;
	[dreg:$0xf] =	wrdreg s13;
	s15 =	sadd.s32 $0x4E380, s23  }
0x1f: {  	s28 =	sadd.s32 s4, s16;
	s24 =	sshrl.u32 s15, $0x3;
	s15 =	rddreg [dreg:$0x3]  }
0x20: {  	s30 =	sadd.s32 s6, s16;
	_ =	strace $0x80000047;
	[dreg:$0x11] =	wrdreg s3  }
0x21: {  	s20 =	sadd.s32 $0x9C40, s21;
	s2 =	simm.s32 $0x7;
	[dreg:$0x12] =	wrdreg s0  }
0x22: {  	s4 =	simm.s32 $0x1;
	s6 =	simm.s32 $0x80;
	[dreg:$0x14] =	wrdreg s14  }
0x23: {  	s22 =	sadd.s32 $0x9C50, s21;
	s13 =	sadd.s32 $0x4E300, s23;
	[dreg:$0x16] =	wrdreg s20  }
0x24: {  	s1 =	simm.s32 $0x6;
	s13 =	sshrl.u32 s13, $0x3;
	[dreg:$0x17] =	wrdreg s22  }
0x25: {  	[dreg:$0x10] =	wrdreg s21;
	s3 =	simm.s32 $0xA980;
	s20 =	simm.s32 $0x5  }
0x26: {  	s14 =	simm.s32 $0x2;
	s0 =	simm.s32 $0x0;
	s17 =	sadd.s32 s24, s9  }
0x27: {  	s18 =	sadd.s32 s13, s9;
	s23 =	sadd.s32 s26, s15;
	s13 =	sadd.s32 s7, s15  }
0x28: {  	s19 =	sadd.s32 s5, s15;
	s26 =	sadd.s32 s8, s15;
	s29 =	sadd.s32 s12, s15  }
0x29: {  	s24 =	sadd.s32 $0xA120, s21;
	s5 =	simm.s32 $0x8000;
	[dreg:$0x13] =	wrdreg s13  }
0x2a: {  	s7 =	simm.s32 $0x8080;
	s8 =	simm.s32 $0x4000;
	[dreg:$0x15] =	wrdreg s19  }
0x2b: {  	v0 =	vimm.f32 $0.0e+00;
	v1 =	vimm.f32 $1.000000000e+00;
	s9 =	simm.s32 $0x3;
	s12 =	simm.s32 $0xA900;
	[dreg:$0x18] =	wrdreg s24  }
.LBB2_1:
0x2c: {  	s13 =	rddreg [dreg:$0x10];
	s19 =	simm.s32 $0x8100;
	s22 =	sand.u32 $0xFE00, s11  }
0x2d: {  	[tilespmem:s19], [sflag:$0x1] =	stream.linear.gather [hbm4b:s13+s11], $0x2710, $0x38;
	[tilespmem:$0x1EC80] =	vst v63  }
0x2e: {  	s24 =	sand.u32 $0x70, s11;
	s21 =	sshrl.u32 s22, $0x2  }
0x2f: {  	s13 =	simm.s32 $0x40;
	s19 =	simm.s32 $0x0;
	s21 =	sor.u32 s24, s21  }
.LBB2_2:
0x30: {  	p0 =	sne.s32 s13, $0xFFC0  }
0x31: {  	[tilespmem:s21+$0x0] =	vst v0;
	s19 =	sadd.s32 $0x10, s19;
	s21 =	smov.u32 s13;
	s13 =	sadd.s32 $0x40, s13  }
.Ltmp0:
0x32: {  	(pc) =	sbr.rel @p0 .LBB2_2-.Ltmp0, $4  }
0x33: {  	_ = 	snop  }
0x34: {  	s21 =	sand.u32 $0xFE00, s21  }
0x35: {  	s22 =	sand.u32 $0x70, s19;
	s21 =	sshrl.u32 s21, $0x2  }
0x36: {  	s21 =	sor.u32 s22, s21  }
0x37: {  	[tilespmem:s21+$0x0] =	vst v0  }
0x38: {  	[tilespmem:$0xA900] =	vst v1  }
0x39: {  	[tilespmem:$0xA980] =	vst v0  }
0x3a: {  	[tilespmem:$0xA910] =	vst v1  }
0x3b: {  	[tilespmem:$0xA990] =	vst v0  }
0x3c: {  	[tilespmem:$0xA920] =	vst v1  }
0x3d: {  	[tilespmem:$0xA9A0] =	vst v0  }
0x3e: {  	[tilespmem:$0xA930] =	vst v1  }
0x3f: {  	[tilespmem:$0xA9B0] =	vst v0  }
0x40: {  	[tilespmem:$0xA940] =	vst v1  }
0x41: {  	[tilespmem:$0xA9C0] =	vst v0  }
0x42: {  	[tilespmem:$0xA950] =	vst v1  }
0x43: {  	[tilespmem:$0xA9D0] =	vst v0  }
0x44: {  	[tilespmem:$0xA960] =	vst v1  }
0x45: {  	[tilespmem:$0xA9E0] =	vst v0  }
0x46: {  	[tilespmem:$0xA970] =	vst v1  }
0x47: {  	[tilespmem:$0xA9F0] =	vst v0  }
0x48: {  	s13 =	simm.s32 $0x0;
	_ =	strace $0x80000048  }
0x49: {  	[spmem:s23] =	stream.linear.scatter [tilespmem:s13], [sflag:$0x7], $0x4000, $0x200038;
	[tilespmem:$0x1EC80] =	vst v63  }
0x4a: {  	_ =	swait.ge [sflag:s2], $0x4000  }
0x4b: {  	[sflag:s2] =	ssyncset.done $0x0  }
0x4c: {  	s19 =	rddreg [dreg:$0x12];
	[sflag:s2] =	ssyncadd.s32 $0xFFFFC000  }
0x4d: {  	[spmem:s19] =	stream.linear.scatter [tilespmem:s3], [sflag:$0x7], $0x80, $0x200038;
	[tilespmem:$0x1EC80] =	vst v63  }
0x4e: {  	_ =	swait.ge [sflag:s2], $0x80  }
0x4f: {  	[sflag:s2] =	ssyncset.done $0x0  }
0x50: {  	s21 =	rddreg [dreg:$0x13];
	[sflag:s2] =	ssyncadd.s32 $0xFFFFFF80  }
0x51: {  	[spmem:s21] =	stream.linear.scatter [tilespmem:s13], [sflag:$0x7], $0x4000, $0x200038;
	[tilespmem:$0x1EC80] =	vst v63  }
0x52: {  	_ =	swait.ge [sflag:s2], $0x4000  }
0x53: {  	[sflag:s2] =	ssyncset.done $0x0  }
0x54: {  	s22 =	rddreg [dreg:$0x14];
	[sflag:s2] =	ssyncadd.s32 $0xFFFFC000  }
0x55: {  	[spmem:s22] =	stream.linear.scatter [tilespmem:s3], [sflag:$0x7], $0x80, $0x200038;
	[tilespmem:$0x1EC80] =	vst v63  }
0x56: {  	_ =	swait.ge [sflag:s2], $0x80  }
0x57: {  	[sflag:s2] =	ssyncset.done $0x0  }
0x58: {  	s24 =	smov.u32 s23;
	s23 =	rddreg [dreg:$0x15];
	[sflag:s2] =	ssyncadd.s32 $0xFFFFFF80  }
0x59: {  	[spmem:s23] =	stream.linear.scatter [tilespmem:s13], [sflag:$0x7], $0x4000, $0x200038;
	[tilespmem:$0x1EC80] =	vst v63  }
0x5a: {  	_ =	swait.ge [sflag:s2], $0x4000  }
0x5b: {  	[sflag:s2] =	ssyncset.done $0x0  }
0x5c: {  	[sflag:s2] =	ssyncadd.s32 $0xFFFFC000  }
0x5d: {  	[spmem:s25] =	stream.linear.scatter [tilespmem:s3], [sflag:$0x7], $0x80, $0x200038;
	[tilespmem:$0x1EC80] =	vst v63  }
0x5e: {  	_ =	swait.ge [sflag:s2], $0x80  }
0x5f: {  	[sflag:s2] =	ssyncset.done $0x0  }
0x60: {  	[sflag:s2] =	ssyncadd.s32 $0xFFFFFF80  }
0x61: {  	[spmem:s26] =	stream.linear.scatter [tilespmem:s13], [sflag:$0x7], $0x4000, $0x200038;
	[tilespmem:$0x1EC80] =	vst v63  }
0x62: {  	_ =	swait.ge [sflag:s2], $0x4000  }
0x63: {  	[sflag:s2] =	ssyncset.done $0x0  }
0x64: {  	[sflag:s2] =	ssyncadd.s32 $0xFFFFC000  }
0x65: {  	[spmem:s28] =	stream.linear.scatter [tilespmem:s3], [sflag:$0x7], $0x80, $0x200038;
	[tilespmem:$0x1EC80] =	vst v63  }
0x66: {  	_ =	swait.ge [sflag:s2], $0x80  }
0x67: {  	[sflag:s2] =	ssyncset.done $0x0  }
0x68: {  	[sflag:s2] =	ssyncadd.s32 $0xFFFFFF80  }
0x69: {  	[spmem:s29] =	stream.linear.scatter [tilespmem:s13], [sflag:$0x7], $0x4000, $0x200038;
	[tilespmem:$0x1EC80] =	vst v63  }
0x6a: {  	_ =	swait.ge [sflag:s2], $0x4000  }
0x6b: {  	[sflag:s2] =	ssyncset.done $0x0  }
0x6c: {  	[sflag:s2] =	ssyncadd.s32 $0xFFFFC000  }
0x6d: {  	[spmem:s30] =	stream.linear.scatter [tilespmem:s3], [sflag:$0x7], $0x80, $0x200038;
	[tilespmem:$0x1EC80] =	vst v63  }
0x6e: {  	_ =	swait.ge [sflag:s2], $0x80  }
0x6f: {  	[sflag:s2] =	ssyncset.done $0x0  }
0x70: {  	[sflag:s2] =	ssyncadd.s32 $0xFFFFFF80  }
0x71: {  	_ =	swait.ge [sflag:s4], $0x2710  }
0x72: {  	[sflag:s4] =	ssyncset.done $0x0  }
0x73: {  	[sflag:s4] =	ssyncadd.s32 $0xFFFFD8F0  }
0x74: {  	[bflag:$0x0] =	sbarrier.arrive $0xFFFF  }
0x75: {  	_ =	strace $0x90000048  }
0x76: {  	_ =	strace $0x80000049  }
0x77: {  	s21 =	rddreg [dreg:$0x16]  }
0x78: {  	[tilespmem:s5], [sflag:$0x3] =	stream.linear.gather [hbm4b:s21+s13], $0x80, $0x200038;
	[tilespmem:$0x1EC80] =	vst v63  }
0x79: {  	s22 =	simm.s32 $0x8100  }
0x7a: {  	[tilespmem:s13], [sflag:$0x1] =	stream.indirect.gather [hbm4b:s10+s6], $0x80, s22, s6, $0x2000b8;
	[tilespmem:$0x1EC80] =	vst v63  }
0x7b: {  	s23 =	rddreg [dreg:$0x17]  }
0x7c: {  	[tilespmem:s7], [sflag:$0x4] =	stream.linear.gather [hbm4b:s23+s13], $0x80, $0x200038;
	[tilespmem:$0x1EC80] =	vst v63  }
0x7d: {  	s19 =	simm.s32 $0x8180  }
0x7e: {  	[tilespmem:s8], [sflag:$0x2] =	stream.indirect.gather [hbm4b:s10+s6], $0x80, s19, s6, $0x2000b8;
	[tilespmem:$0x1EC80] =	vst v63  }
0x7f: {  	_ =	swait.ge [sflag:s9], $0x80  }
0x80: {  	[sflag:s9] =	ssyncset.done $0x0  }
0x81: {  	[sflag:s9] =	ssyncadd.s32 $0xFFFFFF80  }
0x82: {  	_ =	swait.ge [sflag:s4], $0x4000  }
0x83: {  	[sflag:s4] =	ssyncset.done $0x0  }
0x84: {  	[sflag:s4] =	ssyncadd.s32 $0xFFFFC000  }
0x85: {  	[spmem:s15] =	stream.indirect.scatter.add.f32 [tilespmem:s11], [sflag:$0x5], $0x80, s5, s6, $0x2000b8;
	[tilespmem:$0x1EC80] =	vst v63  }
0x86: {  	_ = 	snop  }
0x87: {  	[spmem:s16] =	stream.indirect.scatter.add.f32 [tilespmem:s12], [sflag:$0x6], $0x1, s5, s6, $0x2000b8;
	[tilespmem:$0x1EC80] =	vst v63  }
0x88: {  	_ =	swait.ge [sflag:s20], $0x4000  }
0x89: {  	[sflag:s20] =	ssyncset.done $0x0  }
0x8a: {  	[sflag:s20] =	ssyncadd.s32 $0xFFFFC000  }
0x8b: {  	_ =	swait.ge [sflag:s1], $0x80  }
0x8c: {  	[sflag:s1] =	ssyncset.done $0x0  }
0x8d: {  	s21 =	sadd.s32 $0x0, s18;
	[sflag:s1] =	ssyncadd.s32 $0xFFFFFF80  }
0x8e: {  	[tilespmem:s5], [sflag:$0x3] =	stream.linear.gather [hbm4b:s21+s11], $0x80, $0x200038;
	[tilespmem:$0x1EC80] =	vst v63  }
0x8f: {  	s22 =	simm.s32 $0x8200  }
0x90: {  	[tilespmem:s11], [sflag:$0x1] =	stream.indirect.gather [hbm4b:s10+s6], $0x80, s22, s6, $0x2000b8;
	[tilespmem:$0x1EC80] =	vst v63  }
0x91: {  	_ =	swait.ge [sflag:s31], $0x80  }
0x92: {  	[sflag:s31] =	ssyncset.done $0x0  }
0x93: {  	[sflag:s31] =	ssyncadd.s32 $0xFFFFFF80  }
0x94: {  	_ =	swait.ge [sflag:s14], $0x4000  }
0x95: {  	[sflag:s14] =	ssyncset.done $0x0  }
0x96: {  	[sflag:s14] =	ssyncadd.s32 $0xFFFFC000  }
0x97: {  	[spmem:s15] =	stream.indirect.scatter.add.f32 [tilespmem:s8], [sflag:$0x5], $0x80, s7, s6, $0x2000b8;
	[tilespmem:$0x1EC80] =	vst v63  }
0x98: {  	_ = 	snop  }
0x99: {  	[spmem:s16] =	stream.indirect.scatter.add.f32 [tilespmem:s12], [sflag:$0x6], $0x1, s7, s6, $0x2000b8;
	[tilespmem:$0x1EC80] =	vst v63  }
0x9a: {  	_ =	swait.ge [sflag:s20], $0x4000  }
0x9b: {  	[sflag:s20] =	ssyncset.done $0x0  }
0x9c: {  	[sflag:s20] =	ssyncadd.s32 $0xFFFFC000  }
0x9d: {  	_ =	swait.ge [sflag:s1], $0x80  }
0x9e: {  	s23 =	sadd.s32 $0x0, s17;
	s13 =	simm.s32 $0x8280;
	[sflag:s1] =	ssyncset.done $0x0  }
0x9f: {  	s19 =	simm.s32 $0x20;
	s21 =	simm.s32 $0x8380;
	[sflag:s1] =	ssyncadd.s32 $0xFFFFFF80  }
0xa0: {  	[tilespmem:s7], [sflag:$0x4] =	stream.linear.gather [hbm4b:s23+s11], $0x80, $0x200038;
	[tilespmem:$0x1EC80] =	vst v63  }
.LBB2_4:
0xa1: {  	[tilespmem:s8], [sflag:$0x2] =	stream.indirect.gather [hbm4b:s10+s6], $0x80, s13, s6, $0x2000b8;
	[tilespmem:$0x1EC80] =	vst v63  }
0xa2: {  	s22 =	smov.u32 s19;
	s13 =	smov.u32 s21  }
0xa3: {  	p0 =	sne.s32 s19, $0x4A0;
	s19 =	sadd.s32 $0x20, s19;
	_ =	swait.ge [sflag:s9], $0x80  }
0xa4: {  	[sflag:s9] =	ssyncset.done $0x0  }
0xa5: {  	[sflag:s9] =	ssyncadd.s32 $0xFFFFFF80  }
0xa6: {  	_ =	swait.ge [sflag:s4], $0x4000  }
0xa7: {  	[sflag:s4] =	ssyncset.done $0x0  }
0xa8: {  	[sflag:s4] =	ssyncadd.s32 $0xFFFFC000  }
0xa9: {  	[spmem:s15] =	stream.indirect.scatter.add.f32 [tilespmem:s11], [sflag:$0x5], $0x80, s5, s6, $0x2000b8;
	[tilespmem:$0x1EC80] =	vst v63  }
0xaa: {  	_ = 	snop  }
0xab: {  	[spmem:s16] =	stream.indirect.scatter.add.f32 [tilespmem:s12], [sflag:$0x6], $0x1, s5, s6, $0x2000b8;
	[tilespmem:$0x1EC80] =	vst v63  }
0xac: {  	_ =	swait.ge [sflag:s20], $0x4000  }
0xad: {  	[sflag:s20] =	ssyncset.done $0x0  }
0xae: {  	[sflag:s20] =	ssyncadd.s32 $0xFFFFC000  }
0xaf: {  	_ =	swait.ge [sflag:s1], $0x80  }
0xb0: {  	[sflag:s1] =	ssyncset.done $0x0  }
0xb1: {  	s23 =	sadd.s32 s22, s18;
	[sflag:s1] =	ssyncadd.s32 $0xFFFFFF80  }
0xb2: {  	[tilespmem:s5], [sflag:$0x3] =	stream.linear.gather [hbm4b:s23+s11], $0x80, $0x200038;
	[tilespmem:$0x1EC80] =	vst v63  }
0xb3: {  	s23 =	sadd.s32 $0xFFFFFF80, s21  }
0xb4: {  	[tilespmem:s11], [sflag:$0x1] =	stream.indirect.gather [hbm4b:s10+s6], $0x80, s23, s6, $0x2000b8;
	[tilespmem:$0x1EC80] =	vst v63  }
0xb5: {  	_ =	swait.ge [sflag:s31], $0x80  }
0xb6: {  	[sflag:s31] =	ssyncset.done $0x0  }
0xb7: {  	[sflag:s31] =	ssyncadd.s32 $0xFFFFFF80  }
0xb8: {  	_ =	swait.ge [sflag:s14], $0x4000  }
0xb9: {  	[sflag:s14] =	ssyncset.done $0x0  }
0xba: {  	[sflag:s14] =	ssyncadd.s32 $0xFFFFC000  }
0xbb: {  	[spmem:s15] =	stream.indirect.scatter.add.f32 [tilespmem:s8], [sflag:$0x5], $0x80, s7, s6, $0x2000b8;
	[tilespmem:$0x1EC80] =	vst v63  }
0xbc: {  	_ = 	snop  }
0xbd: {  	[spmem:s16] =	stream.indirect.scatter.add.f32 [tilespmem:s12], [sflag:$0x6], $0x1, s7, s6, $0x2000b8;
	[tilespmem:$0x1EC80] =	vst v63  }
0xbe: {  	_ =	swait.ge [sflag:s20], $0x4000  }
0xbf: {  	[sflag:s20] =	ssyncset.done $0x0  }
0xc0: {  	[sflag:s20] =	ssyncadd.s32 $0xFFFFC000  }
.Ltmp1:
0xc1: {  	_ =	swait.ge [sflag:s1], $0x80;
	(pc) =	sbr.rel @p0 .LBB2_4-.Ltmp1, $4  }
0xc2: {  	[sflag:s1] =	ssyncset.done $0x0  }
0xc3: {  	s22 =	sadd.s32 s22, s17;
	[sflag:s1] =	ssyncadd.s32 $0xFFFFFF80  }
0xc4: {  	[tilespmem:s7], [sflag:$0x4] =	stream.linear.gather [hbm4b:s22+s11], $0x80, $0x200038;
	[tilespmem:$0x1EC80] =	vst v63  }
0xc5: {  	s21 =	sadd.s32 $0x100, s21  }
0xc6: {  	[tilespmem:s8], [sflag:$0x2] =	stream.indirect.gather [hbm4b:s10+s6], $0x80, s13, s6, $0x2000b8;
	[tilespmem:$0x1EC80] =	vst v63  }
0xc7: {  	_ =	swait.ge [sflag:s9], $0x80  }
0xc8: {  	[sflag:s9] =	ssyncset.done $0x0  }
0xc9: {  	[sflag:s9] =	ssyncadd.s32 $0xFFFFFF80  }
0xca: {  	_ =	swait.ge [sflag:s4], $0x4000  }
0xcb: {  	[sflag:s4] =	ssyncset.done $0x0  }
0xcc: {  	[sflag:s4] =	ssyncadd.s32 $0xFFFFC000  }
0xcd: {  	[spmem:s15] =	stream.indirect.scatter.add.f32 [tilespmem:s11], [sflag:$0x5], $0x80, s5, s6, $0x2000b8;
	[tilespmem:$0x1EC80] =	vst v63  }
0xce: {  	_ = 	snop  }
0xcf: {  	[spmem:s16] =	stream.indirect.scatter.add.f32 [tilespmem:s12], [sflag:$0x6], $0x1, s5, s6, $0x2000b8;
	[tilespmem:$0x1EC80] =	vst v63  }
0xd0: {  	_ =	swait.ge [sflag:s20], $0x4000  }
0xd1: {  	[sflag:s20] =	ssyncset.done $0x0  }
0xd2: {  	[sflag:s20] =	ssyncadd.s32 $0xFFFFC000  }
0xd3: {  	_ =	swait.ge [sflag:s1], $0x80  }
0xd4: {  	[sflag:s1] =	ssyncset.done $0x0  }
0xd5: {  	[sflag:s1] =	ssyncadd.s32 $0xFFFFFF80  }
0xd6: {  	_ =	swait.ge [sflag:s31], $0x80  }
0xd7: {  	[sflag:s31] =	ssyncset.done $0x0  }
0xd8: {  	[sflag:s31] =	ssyncadd.s32 $0xFFFFFF80  }
0xd9: {  	_ =	swait.ge [sflag:s14], $0x4000  }
0xda: {  	[sflag:s14] =	ssyncset.done $0x0  }
0xdb: {  	[sflag:s14] =	ssyncadd.s32 $0xFFFFC000  }
0xdc: {  	[spmem:s15] =	stream.indirect.scatter.add.f32 [tilespmem:s8], [sflag:$0x5], $0x80, s7, s6, $0x2000b8;
	[tilespmem:$0x1EC80] =	vst v63  }
0xdd: {  	_ = 	snop  }
0xde: {  	[spmem:s16] =	stream.indirect.scatter.add.f32 [tilespmem:s12], [sflag:$0x6], $0x1, s7, s6, $0x2000b8;
	[tilespmem:$0x1EC80] =	vst v63  }
0xdf: {  	_ =	swait.ge [sflag:s20], $0x4000  }
0xe0: {  	[sflag:s20] =	ssyncset.done $0x0  }
0xe1: {  	[sflag:s20] =	ssyncadd.s32 $0xFFFFC000  }
0xe2: {  	_ =	swait.ge [sflag:s1], $0x80  }
0xe3: {  	[sflag:s1] =	ssyncset.done $0x0  }
0xe4: {  	s19 =	simm.s32 $0xA880;
	s22 =	rddreg [dreg:$0x18];
	[sflag:s1] =	ssyncadd.s32 $0xFFFFFF80  }
0xe5: {  	[tilespmem:s19], [sflag:$0x7] =	stream.linear.gather [hbm4b:s22+s11], $0x10, $0x200038;
	[tilespmem:$0x1EC80] =	vst v63  }
0xe6: {  	_ =	swait.ge [sflag:s2], $0x10  }
0xe7: {  	[sflag:s2] =	ssyncset.done $0x0  }
0xe8: {  	s23 =	simm.s32 $0x10;
	s21 =	simm.s32 $0xA800;
	[sflag:s2] =	ssyncadd.s32 $0xFFFFFFF0  }
0xe9: {  	[tilespmem:s11], [sflag:$0x1] =	stream.indirect.gather [hbm4b:s10+s23], $0x80, s21, s23, $0x2000b8;
	[tilespmem:$0x1EC80] =	vst v63  }
0xea: {  	_ =	swait.ge [sflag:s4], $0x800  }
0xeb: {  	[sflag:s4] =	ssyncset.done $0x0  }
0xec: {  	[sflag:s4] =	ssyncadd.s32 $0xFFFFF800  }
0xed: {  	[spmem:s15] =	stream.indirect.scatter.add.f32 [tilespmem:s11], [sflag:$0x7], $0x80, s19, s23, $0x2000b8;
	[tilespmem:$0x1EC80] =	vst v63  }
0xee: {  	_ =	swait.ge [sflag:s2], $0x800  }
0xef: {  	[sflag:s2] =	ssyncset.done $0x0  }
0xf0: {  	[sflag:s2] =	ssyncadd.s32 $0xFFFFF800  }
0xf1: {  	[spmem:s16] =	stream.indirect.scatter.add.f32 [tilespmem:s12], [sflag:$0x7], $0x1, s19, s23, $0x2000b8;
	[tilespmem:$0x1EC80] =	vst v63  }
0xf2: {  	_ =	swait.ge [sflag:s2], $0x10  }
0xf3: {  	[sflag:s2] =	ssyncset.done $0x0  }
0xf4: {  	[sflag:s2] =	ssyncadd.s32 $0xFFFFFFF0  }
0xf5: {  	[bflag:$0x0] =	sbarrier.arrive $0xFFFF  }
0xf6: {  	_ =	strace $0x90000049  }
0xf7: {  	_ =	strace $0x8000004A  }
0xf8: {  	[tilespmem:s11], [sflag:$0x7] =	stream.linear.gather [spmem:s24], $0x4000, $0x200038;
	[tilespmem:$0x1EC80] =	vst v63  }
0xf9: {  	_ =	swait.ge [sflag:s2], $0x4000  }
0xfa: {  	[sflag:s2] =	ssyncset.done $0x0  }
0xfb: {  	s21 =	rddreg [dreg:$0x6];
	[sflag:s2] =	ssyncadd.s32 $0xFFFFC000  }
0xfc: {  	[hbm4b:s21+s11] =	stream.linear.scatter [tilespmem:s11], [sflag:$0x7], $0x4000, $0x200038;
	[tilespmem:$0x1EC80] =	vst v63  }
0xfd: {  	_ =	swait.ge [sflag:s2], $0x4000  }
0xfe: {  	[sflag:s2] =	ssyncset.done $0x0  }
0xff: {  	s22 =	rddreg [dreg:$0x12];
	[sflag:s2] =	ssyncadd.s32 $0xFFFFC000  }
0x100: {  	[tilespmem:s3], [sflag:$0x7] =	stream.linear.gather [spmem:s22], $0x80, $0x200038;
	[tilespmem:$0x1EC80] =	vst v63  }
0x101: {  	_ =	swait.ge [sflag:s2], $0x80  }
0x102: {  	[sflag:s2] =	ssyncset.done $0x0  }
0x103: {  	s23 =	smov.u32 s24;
	s24 =	rddreg [dreg:$0x7];
	[sflag:s2] =	ssyncadd.s32 $0xFFFFFF80  }
0x104: {  	[hbm4b:s24+s11] =	stream.linear.scatter [tilespmem:s3], [sflag:$0x7], $0x80, $0x200038;
	[tilespmem:$0x1EC80] =	vst v63  }
0x105: {  	_ =	swait.ge [sflag:s2], $0x80  }
0x106: {  	[sflag:s2] =	ssyncset.done $0x0  }
0x107: {  	s19 =	rddreg [dreg:$0x13];
	[sflag:s2] =	ssyncadd.s32 $0xFFFFFF80  }
0x108: {  	[tilespmem:s11], [sflag:$0x7] =	stream.linear.gather [spmem:s19], $0x4000, $0x200038;
	[tilespmem:$0x1EC80] =	vst v63  }
0x109: {  	_ =	swait.ge [sflag:s2], $0x4000  }
0x10a: {  	[sflag:s2] =	ssyncset.done $0x0  }
0x10b: {  	s21 =	rddreg [dreg:$0x8];
	[sflag:s2] =	ssyncadd.s32 $0xFFFFC000  }
0x10c: {  	[hbm4b:s21+s11] =	stream.linear.scatter [tilespmem:s11], [sflag:$0x7], $0x4000, $0x200038;
	[tilespmem:$0x1EC80] =	vst v63  }
0x10d: {  	_ =	swait.ge [sflag:s2], $0x4000  }
0x10e: {  	[sflag:s2] =	ssyncset.done $0x0  }
0x10f: {  	s22 =	rddreg [dreg:$0x14];
	[sflag:s2] =	ssyncadd.s32 $0xFFFFC000  }
0x110: {  	[tilespmem:s3], [sflag:$0x7] =	stream.linear.gather [spmem:s22], $0x80, $0x200038;
	[tilespmem:$0x1EC80] =	vst v63  }
0x111: {  	_ =	swait.ge [sflag:s2], $0x80  }
0x112: {  	[sflag:s2] =	ssyncset.done $0x0  }
0x113: {  	s24 =	rddreg [dreg:$0x9];
	[sflag:s2] =	ssyncadd.s32 $0xFFFFFF80  }
0x114: {  	[hbm4b:s24+s11] =	stream.linear.scatter [tilespmem:s3], [sflag:$0x7], $0x80, $0x200038;
	[tilespmem:$0x1EC80] =	vst v63  }
0x115: {  	_ =	swait.ge [sflag:s2], $0x80  }
0x116: {  	[sflag:s2] =	ssyncset.done $0x0  }
0x117: {  	s19 =	rddreg [dreg:$0x15];
	[sflag:s2] =	ssyncadd.s32 $0xFFFFFF80  }
0x118: {  	[tilespmem:s11], [sflag:$0x7] =	stream.linear.gather [spmem:s19], $0x4000, $0x200038;
	[tilespmem:$0x1EC80] =	vst v63  }
0x119: {  	_ =	swait.ge [sflag:s2], $0x4000  }
0x11a: {  	[sflag:s2] =	ssyncset.done $0x0  }
0x11b: {  	s21 =	rddreg [dreg:$0xa];
	[sflag:s2] =	ssyncadd.s32 $0xFFFFC000  }
0x11c: {  	[hbm4b:s21+s11] =	stream.linear.scatter [tilespmem:s11], [sflag:$0x7], $0x4000, $0x200038;
	[tilespmem:$0x1EC80] =	vst v63  }
0x11d: {  	_ =	swait.ge [sflag:s2], $0x4000  }
0x11e: {  	[sflag:s2] =	ssyncset.done $0x0  }
0x11f: {  	[sflag:s2] =	ssyncadd.s32 $0xFFFFC000  }
0x120: {  	[tilespmem:s3], [sflag:$0x7] =	stream.linear.gather [spmem:s25], $0x80, $0x200038;
	[tilespmem:$0x1EC80] =	vst v63  }
0x121: {  	_ =	swait.ge [sflag:s2], $0x80  }
0x122: {  	[sflag:s2] =	ssyncset.done $0x0  }
0x123: {  	s22 =	rddreg [dreg:$0xd];
	[sflag:s2] =	ssyncadd.s32 $0xFFFFFF80  }
0x124: {  	[hbm4b:s22+s11] =	stream.linear.scatter [tilespmem:s3], [sflag:$0x7], $0x80, $0x200038;
	[tilespmem:$0x1EC80] =	vst v63  }
0x125: {  	_ =	swait.ge [sflag:s2], $0x80  }
0x126: {  	[sflag:s2] =	ssyncset.done $0x0  }
0x127: {  	[sflag:s2] =	ssyncadd.s32 $0xFFFFFF80  }
0x128: {  	[tilespmem:s11], [sflag:$0x7] =	stream.linear.gather [spmem:s26], $0x4000, $0x200038;
	[tilespmem:$0x1EC80] =	vst v63  }
0x129: {  	_ =	swait.ge [sflag:s2], $0x4000  }
0x12a: {  	[sflag:s2] =	ssyncset.done $0x0  }
0x12b: {  	s24 =	rddreg [dreg:$0xb];
	[sflag:s2] =	ssyncadd.s32 $0xFFFFC000  }
0x12c: {  	[hbm4b:s24+s11] =	stream.linear.scatter [tilespmem:s11], [sflag:$0x7], $0x4000, $0x200038;
	[tilespmem:$0x1EC80] =	vst v63  }
0x12d: {  	_ =	swait.ge [sflag:s2], $0x4000  }
0x12e: {  	[sflag:s2] =	ssyncset.done $0x0  }
0x12f: {  	[sflag:s2] =	ssyncadd.s32 $0xFFFFC000  }
0x130: {  	[tilespmem:s3], [sflag:$0x7] =	stream.linear.gather [spmem:s28], $0x80, $0x200038;
	[tilespmem:$0x1EC80] =	vst v63  }
0x131: {  	_ =	swait.ge [sflag:s2], $0x80  }
0x132: {  	[sflag:s2] =	ssyncset.done $0x0  }
0x133: {  	s19 =	rddreg [dreg:$0xe];
	[sflag:s2] =	ssyncadd.s32 $0xFFFFFF80  }
0x134: {  	[hbm4b:s19+s11] =	stream.linear.scatter [tilespmem:s3], [sflag:$0x7], $0x80, $0x200038;
	[tilespmem:$0x1EC80] =	vst v63  }
0x135: {  	_ =	swait.ge [sflag:s2], $0x80  }
0x136: {  	[sflag:s2] =	ssyncset.done $0x0  }
0x137: {  	[sflag:s2] =	ssyncadd.s32 $0xFFFFFF80  }
0x138: {  	[tilespmem:s11], [sflag:$0x7] =	stream.linear.gather [spmem:s29], $0x4000, $0x200038;
	[tilespmem:$0x1EC80] =	vst v63  }
0x139: {  	_ =	swait.ge [sflag:s2], $0x4000  }
0x13a: {  	[sflag:s2] =	ssyncset.done $0x0  }
0x13b: {  	s21 =	rddreg [dreg:$0xc];
	[sflag:s2] =	ssyncadd.s32 $0xFFFFC000  }
0x13c: {  	[hbm4b:s21+s11] =	stream.linear.scatter [tilespmem:s11], [sflag:$0x7], $0x4000, $0x200038;
	[tilespmem:$0x1EC80] =	vst v63  }
0x13d: {  	_ =	swait.ge [sflag:s2], $0x4000  }
0x13e: {  	[sflag:s2] =	ssyncset.done $0x0  }
0x13f: {  	[sflag:s2] =	ssyncadd.s32 $0xFFFFC000  }
0x140: {  	[tilespmem:s3], [sflag:$0x7] =	stream.linear.gather [spmem:s30], $0x80, $0x200038;
	[tilespmem:$0x1EC80] =	vst v63  }
0x141: {  	_ =	swait.ge [sflag:s2], $0x80  }
0x142: {  	[sflag:s2] =	ssyncset.done $0x0  }
0x143: {  	s22 =	rddreg [dreg:$0xf];
	[sflag:s2] =	ssyncadd.s32 $0xFFFFFF80  }
0x144: {  	[hbm4b:s22+s11] =	stream.linear.scatter [tilespmem:s3], [sflag:$0x7], $0x80, $0x200038;
	[tilespmem:$0x1EC80] =	vst v63  }
0x145: {  	_ =	swait.ge [sflag:s2], $0x80  }
0x146: {  	s0 =	sadd.s32 $0x1, s0;
	s24 =	rddreg [dreg:$0x11]  }
0x147: {  	p0 =	sne.s32 s0, s24  }
.Ltmp2:
0x148: {  	_ = 	snop;
	(pc) =	sbr.rel @p0 .LBB2_1-.Ltmp2, $4  }
0x149: {  	_ = 	snop  }
0x14a: {  	[sflag:s2] =	ssyncset.done $0x0  }
0x14b: {  	[sflag:s2] =	ssyncadd.s32 $0xFFFFFF80  }
0x14c: {  	_ =	strace $0x9000004A  }
0x14d: {  	_ =	sfence.sel $0x180000  }
0x14e: {  	[bflag:$0x0] =	sbarrier.arrive $0xFFFF  }
0x14f: {  	_ =	strace $0x90000047  }
0x150: {  	s0 =	stileid.u32;
	[bflag:$0x2] =	sbarrier.arrive $0xFFFF  }
0x151: {  	p0 =	sne.s32 s0, $0x0;
	s0 =	rddreg [dreg:$0x5]  }
0x152: {  	s0 =	sadd.s32 @!p0 $0x100000, s0  }
0x153: {  	[sflag:s0] =	ssyncadd.tile.s32 @!p0 $0x1;
	_ =	shalt  }
.Lfunc_end2:
_tile_overlayer_lowered:
.L_overlay_start_2:
0x154: {  	(tag) =	ssettag $0x2  }
0x155: {  	s0 =	rddreg [dreg:$0x0];
	s2 =	stileid.u32  }
0x156: {  	s1 =	rddreg [dreg:$0x1];
	p0 =	sne.s32 s2, $0x0  }
0x157: {  	s3 =	rddreg [dreg:$0x2];
	[bflag:$0x3] =	sbarrier.arrive $0xFFFF;
	s2 =	simm.s32 @!p0 $0x1C07  }
0x158: {  	[timem:s3], [sflag:s2] =	dma.local @!p0 [hbm:s0], s1  }
0x159: {  	s0 =	simm.s32 @!p0 $0x7  }
0x15a: {  	_ =	swait.ge @!p0 [sflag:s0], s1  }
0x15b: {  	s1 =	ssub.s32 @!p0 $0x0, s1;
	[sflag:s0] =	ssyncset.done @!p0 $0x0  }
0x15c: {  	[sflag:s0] =	ssyncadd.s32 @!p0 s1  }
0x15d: {  	[bflag:$0x3] =	sbarrier.arrive $0xFFFF  }
0x15e: {  	_ =	shalt  }

// kernel: kernel.9.cloned.1.call-start
scs
__scs_entry_jumppad:
0x0: {  	(pc) =	sbr.rel $0x88, $3  }
0x1: {  	(tag) =	ssettag $0x0;
	lr =	simm.s32 $0x1  }
0x2: {  	[smem:$0x3F99] =	sst lr;
	_ =	strace $0xD0000000  }
0x3: {  	_ = 	snop  }
0x4: {  	_ = 	snop  }
0x5: {  	_ = 	snop  }
0x6: {  	_ = 	snop  }
0x7: {  	_ = 	snop  }
__scs_overlays_trampoline_lowered:
0x8: {  	[smem:$0x3FA8] =	sst s0  }
0x9: {  	[smem:$0x3FA9] =	sst s1  }
0xa: {  	[smem:$0x3FAA] =	sst s2  }
0xb: {  	[smem:$0x3FAB] =	sst s3  }
0xc: {  	[smem:$0x3FAC] =	sst s4  }
0xd: {  	[smem:$0x3FAD] =	sst s5  }
0xe: {  	[smem:$0x3FAE] =	sst s6  }
0xf: {  	[smem:$0x3FAF] =	sst s7  }
0x10: {  	[smem:$0x3FB0] =	sst s8  }
0x11: {  	[smem:$0x3FB1] =	sst s9;
	s0 =	simm.s32 @!p0 $0x0  }
0x12: {  	s1 =	sld [smem:$0x3F97];
	s0 =	simm.s32 @p0 $0x1  }
0x13: {  	[smem:$0x3FB2] =	sst s0;
	s0 =	simm.s32 @!p1 $0x0  }
0x14: {  	s2 =	sld [smem:$0x3F96];
	s0 =	simm.s32 @p1 $0x1  }
0x15: {  	[smem:$0x3FB3] =	sst s0;
	s0 =	simm.s32 @!p2 $0x0  }
0x16: {  	s3 =	sld [smem:$0x3FDB];
	s0 =	simm.s32 @p2 $0x1  }
0x17: {  	s4 =	simm.s32 $0x1BF5;
	[smem:$0x3FB5] =	sst s0  }
0x18: {  	s0 =	sld [smem:$0x3F98];
	_ =	swait.ge [sflag:s4], $0x0  }
0x19: {  	s7 =	sld [smem:$0x3F99]  }
0x1a: {  	s8 =	sadd.s32 $0xFFFFE003, lr  }
0x1b: {  	s9 =	sadd.s32 $0xFFFFFEF7, lr;
	s5 =	simm.s32 $0xFFFFFFFF;
	p2 =	slt.u32 s8, $0xFFFFF086  }
0x1c: {  	p1 =	slt.u32 s9, $0xF7A;
	s5 =	simm.s32 @!p2 $0x0  }
0x1d: {  	s5 =	simm.s32 @p1 $0x1;
	p0 =	seq.s32 s7, s2  }
0x1e: {  	s7 =	smul.u32 @!p0 $0xF7A, s2;
	p2 =	seq.s32 @!p0 s5, $0x0  }
0x1f: {  	s9 =	smul.u32 $0xF7A, s1;
	s8 =	simm.s32 @!p0 $0x1BF5;
	p2 =	por !p2, p0  }
0x20: {  	[sflag:s8] =	ssyncset.s32 @!p0 $0xFFFFF086;
	s6 =	sadd.s32 @!p0 s3, s7;
	s7 =	simm.s32 @!p0 $0x108  }
0x21: {  	s3 =	sadd.s32 s3, s9;
	s6 =	sadd.s32 @!p0 $0x88, s6;
	s7 =	simm.s32 @p2 $0x1082  }
0x22: {  	[simem:s7], [sflag:s8] =	dma.local @!p0 [hbm:s6], $0xF7A  }
0x23: {  	s9 =	sor.u32 $0xD0000000, s2;
	s6 =	simm.s32 $0x108;
	_ =	swait.ge @!p0 [sflag:s8], $0x0  }
0x24: {  	s3 =	sadd.s32 $0x88, s3;
	s6 =	simm.s32 @!p1 $0x1082;
	[sflag:s4] =	ssyncset.s32 $0xFFFFF086  }
0x25: {  	[simem:s6], [sflag:s4] =	dma.local [hbm:s3], $0xF7A  }
0x26: {  	[smem:$0x3F99] =	sst s1;
	(tag) =	ssettag s2;
	_ =	strace s9  }
0x27: {  	s1 =	sld [smem:$0x3FA9]  }
0x28: {  	s2 =	sld [smem:$0x3FAA]  }
0x29: {  	s4 =	sld [smem:$0x3FAC]  }
0x2a: {  	p0 =	seq.s32 s5, $0x0;
	s5 =	sld [smem:$0x3FAD]  }
0x2b: {  	s6 =	sld [smem:$0x3FAE]  }
0x2c: {  	s7 =	sld [smem:$0x3FAF]  }
0x2d: {  	s3 =	simm.s32 $0x108;
	s8 =	sld [smem:$0x3FB0]  }
0x2e: {  	s3 =	simm.s32 @!p0 $0x1082;
	s9 =	sld [smem:$0x3FB1]  }
0x2f: {  	lr =	sadd.s32 s0, s3;
	s0 =	sld [smem:$0x3FA8]  }
0x30: {  	s3 =	sld [smem:$0x3FAB]  }
0x31: {  	[smem:$0x3FB4] =	sst s10  }
0x32: {  	s10 =	sld [smem:$0x3FB2];
	_ =	sdelay $0x3  }
0x33: {  	p0 =	seq.s32 s10, $0x1;
	s10 =	sld [smem:$0x3FB4];
	_ =	sdelay $0x3  }
0x34: {  	[smem:$0x3FB4] =	sst s10  }
0x35: {  	s10 =	sld [smem:$0x3FB3];
	_ =	sdelay $0x3  }
0x36: {  	p1 =	seq.s32 s10, $0x1;
	s10 =	sld [smem:$0x3FB4];
	_ =	sdelay $0x3  }
0x37: {  	[smem:$0x3FB4] =	sst s10  }
0x38: {  	s10 =	sld [smem:$0x3FB5]  }
0x39: {  	_ = 	snop;
	(pc) =	sbr.ind lr, $3  }
0x3a: {  	_ = 	snop  }
0x3b: {  	_ = 	snop  }
0x3c: {  	p2 =	seq.s32 s10, $0x1;
	s10 =	sld [smem:$0x3FB4]  }
0x3d: {  	_ =	shalt  }
0x3e: {  	_ =	shalt  }
0x3f: {  	_ =	shalt  }
0x40: {  	_ =	shalt  }
0x41: {  	_ =	shalt  }
0x42: {  	_ =	shalt  }
0x43: {  	_ =	shalt  }
0x44: {  	_ =	shalt  }
0x45: {  	_ =	shalt  }
0x46: {  	_ =	shalt  }
0x47: {  	_ =	shalt  }
0x48: {  	_ =	shalt  }
0x49: {  	_ =	shalt  }
0x4a: {  	_ =	shalt  }
0x4b: {  	_ =	shalt  }
0x4c: {  	_ =	shalt  }
0x4d: {  	_ =	shalt  }
0x4e: {  	_ =	shalt  }
0x4f: {  	_ =	shalt  }
0x50: {  	_ =	shalt  }
0x51: {  	_ =	shalt  }
0x52: {  	_ =	shalt  }
0x53: {  	_ =	shalt  }
0x54: {  	_ =	shalt  }
0x55: {  	_ =	shalt  }
0x56: {  	_ =	shalt  }
0x57: {  	_ =	shalt  }
0x58: {  	_ =	shalt  }
0x59: {  	_ =	shalt  }
0x5a: {  	_ =	shalt  }
0x5b: {  	_ =	shalt  }
0x5c: {  	_ =	shalt  }
0x5d: {  	_ =	shalt  }
0x5e: {  	_ =	shalt  }
0x5f: {  	_ =	shalt  }
0x60: {  	_ =	shalt  }
0x61: {  	_ =	shalt  }
0x62: {  	_ =	shalt  }
0x63: {  	_ =	shalt  }
0x64: {  	_ =	shalt  }
0x65: {  	_ =	shalt  }
0x66: {  	_ =	shalt  }
0x67: {  	_ =	shalt  }
0x68: {  	_ =	shalt  }
0x69: {  	_ =	shalt  }
0x6a: {  	_ =	shalt  }
0x6b: {  	_ =	shalt  }
0x6c: {  	_ =	shalt  }
0x6d: {  	_ =	shalt  }
0x6e: {  	_ =	shalt  }
0x6f: {  	_ =	shalt  }
0x70: {  	_ =	shalt  }
0x71: {  	_ =	shalt  }
0x72: {  	_ =	shalt  }
0x73: {  	_ =	shalt  }
0x74: {  	_ =	shalt  }
0x75: {  	_ =	shalt  }
0x76: {  	_ =	shalt  }
0x77: {  	_ =	shalt  }
0x78: {  	_ =	shalt  }
0x79: {  	_ =	shalt  }
0x7a: {  	_ =	shalt  }
0x7b: {  	_ =	shalt  }
0x7c: {  	_ =	shalt  }
0x7d: {  	_ =	shalt  }
0x7e: {  	_ =	shalt  }
0x7f: {  	_ =	shalt  }
0x80: {  	_ =	shalt  }
0x81: {  	_ =	shalt  }
0x82: {  	_ =	shalt  }
0x83: {  	_ =	shalt  }
0x84: {  	_ =	shalt  }
0x85: {  	_ =	shalt  }
0x86: {  	_ =	shalt  }
0x87: {  	_ =	shalt  }
.Lfunc_end0:
.L_simem_size_0:
called_computation.1_lowered:
.L_overlay_start_0:
0x88: {  	s2 =	sld [smem:$0x3FD9]  }
0x89: {  	s3 =	sld [smem:$0x3FFE];
	_ =	sdelay $0x1  }
0x8a: {  	s1 =	srdreg.scid  }
0x8b: {  	s0 =	sand.u32 $0x1, s1  }
0x8c: {  	s17 =	sshll.u32 s0, $0xA;
	s2 =	sadd.s32 s3, s2  }
0x8d: {  	s2 =	sadd.s32 s2, s17  }
0x8e: {  	[smem:$0x3FC0] =	sst s2  }
0x8f: {  	_ = 	snop  }
0x90: {  	s2 =	sld [smem:$0x3FD0];
	(tm) =	ssettm $0x1  }
0x91: {  	s18 =	sld [smem:$0x3FFB];
	_ =	sdelay $0x3  }
0x92: {  	_ =	strace s18  }
0x93: {  	s3 =	sld [smem:$0x3FFC];
	_ =	sdelay $0x3  }
0x94: {  	_ =	strace s3  }
0x95: {  	s3 =	sld [smem:$0x3FFD];
	_ =	sdelay $0x3  }
0x96: {  	_ =	strace s3  }
0x97: {  	_ =	strace $0x8FFFFFFF  }
0x98: {  	s19 =	sld [smem:$0x3FDB];
	_ =	sdelay $0x1  }
0x99: {  	s4 =	simm.s32 $_scs_section_size  }
0x9a: {  	s5 =	simm.s32 $_size__tile_overlayer_lowered;
	s6 =	simm.s32 $_tile_overlayer_lowered  }
0x9b: {  	s22 =	simm.s32 $0x1BFF;
	s21 =	sshll.u32 s6, $0x1;
	s3 =	sadd.s32 s4, s19  }
0x9c: {  	s7 =	simm.s32 $0x0;
	s20 =	sshll.u32 s5, $0x1;
	s5 =	sadd.s32 s21, s3  }
0x9d: {  	[timem:s7], [sflag:s22] =	dma.local [hbm:s5], s20  }
0x9e: {  	_ =	swait.ge [sflag:s22], s20  }
0x9f: {  	s4 =	ssub.s32 $0x0, s20;
	[sflag:s22] =	ssyncset.done $0x0  }
0xa0: {  	[sflag:s22] =	ssyncadd.s32 s4;
	_ =	sdelay $0x1  }
0xa1: {  	s23 =	simm.s32 $0x1B8B  }
0xa2: {  	_ =	swait.ge [sflag:s23], $0x1  }
0xa3: {  	[sflag:s23] =	ssyncset.done $0x0  }
0xa4: {  	s25 =	simm.s32 $0x1B8E;
	s24 =	sld [smem:$0x3FFE];
	[sflag:s23] =	ssyncadd.s32 $0xFFFFFFFF  }
0xa5: {  	s26 =	simm.s32 $execute0_lowered;
	[smem:$0x3FD2] =	sst s25  }
0xa6: {  	s5 =	sshll.u32 s26, $0x1;
	_ =	strace $0x8000004C;
	[dreg:$0x1] =	wrdreg $0xFFFFFFFF  }
0xa7: {  	s28 =	simm.s32 $_size_execute0_lowered;
	s3 =	sadd.s32 s3, s5;
	[dreg:$0x0] =	wrdreg $0x0  }
0xa8: {  	s5 =	sshll.u32 s28, $0x1;
	[dreg:$0x2] =	wrdreg s3  }
0xa9: {  	[dreg:$0x3] =	wrdreg s5  }
0xaa: {  	[dreg:$0x4] =	wrdreg $0xC0  }
0xab: {  	_ =	task [dreg:s7], $0x5FFFF  }
0xac: {  	[dreg:$0x1] =	wrdreg $0xFFFFFFFF  }
0xad: {  	[dreg:$0x0] =	wrdreg $0x60  }
0xae: {  	[dreg:$0x2] =	wrdreg s2  }
0xaf: {  	[dreg:$0x3] =	wrdreg s24  }
0xb0: {  	[dreg:$0x4] =	wrdreg $0xAA000  }
0xb1: {  	[dreg:$0x5] =	wrdreg $0x1EA000  }
0xb2: {  	[dreg:$0x6] =	wrdreg $0x9  }
0xb3: {  	_ =	task.clear_ibuf [dreg:s7], $0x7FFFF;
	_ =	strace $0x9000004C  }
0xb4: {  	s29 =	simm.s32 $0x9;
	_ =	strace $0x80000051  }
0xb5: {  	_ =	swait.ge [sflag:s29], $0x1  }
0xb6: {  	[sflag:s29] =	ssyncadd.s32 $0xFFFFFFFF  }
0xb7: {  	_ =	strace $0x90000051  }
0xb8: {  	_ =	sfence  }
0xb9: {  	s30 =	sld [smem:$0x0];
	_ =	sdelay $0x2  }
0xba: {  	s31 =	sshll.u32 s1, $0xD;
	s1 =	sshrl.u32 s1, $0x2  }
0xbb: {  	s3 =	sand.u32 $0x4000, s31;
	s1 =	sadd.s32 s1, s30  }
0xbc: {  	s0 =	sor.u32 s3, s0;
	s1 =	sshll.u32 s1, $0x11  }
0xbd: {  	s0 =	sor.u32 s1, s0  }
0xbe: {  	s0 =	sadd.s32 $0x8F2B, s0  }
0xbf: {  	[sflag:s0] =	ssyncadd.remote.s32 $0x1  }
0xc0: {  	_ =	sfence.sel $0xFFFF  }
0xc1: {  	[dreg:$0x0] =	wrdreg $0xFFFFFFFF;
	(pc) =	sbr.abs _section_cstart, $3  }
0xc2: {  	[dreg:$0x1] =	wrdreg $0xFFFFFFFF  }
0xc3: {  	_ =	task.clear_ibuf [dreg:s7], $0x2FFFF;
	_ =	strace $0x9FFFFFFF  }
0xc4: {  	(tm) =	ssettm $0x7FFFFFFF  }
0xc5: {  	_ =	shalt  }
tec
execute0_lowered:
.L_overlay_start_1:
0x0: {  	(tag) =	ssettag $0x1  }
0x1: {  	s1 =	rddreg [dreg:$0x0]  }
0x2: {  	s0 =	rddreg [dreg:$0x1]  }
0x3: {  	s3 =	rddreg [dreg:$0x2]  }
0x4: {  	s2 =	rddreg [dreg:$0x3]  }
0x5: {  	s5 =	srdreg.scid;
	s16 =	stileid.u32;
	s4 =	simm.s32 $0x0  }
0x6: {  	s29 =	simm.s32 $0x6;
	s30 =	simm.s32 $0xA980;
	s10 =	smul.u32 $0x280, s16  }
0x7: {  	s31 =	simm.s32 $0x1;
	s5 =	sand.u32 $0x1, s5;
	s14 =	smul.u32 $0x14000, s16  }
0x8: {  	s6 =	sshll.u32 s16, $0x1;
	[smem:$0x7FF] =	sst s4;
	s26 =	smul.u32 $0x4E20, s16  }
0x9: {  	s7 =	sadd.s32 $0x2600, s0;
	s0 =	sadd.s32 $0x16000, s0;
	s21 =	smul.u32 $0x140000, s5  }
0xa: {  	s6 =	sor.u32 s5, s6;
	s8 =	ssub.s32 $0x2, s5;
	s5 =	smul.u32 $0x2710, s5  }
0xb: {  	_ =	strace $0x8000004D;
	s6 =	smul.u32 $0x2710, s6;
	s9 =	sshrl.u32 s8, $0x1  }
0xc: {  	s11 =	sadd.s32 s10, s2;
	s22 =	sadd.s32 $0x80, s10;
	s13 =	sadd.s32 $0x100, s10  }
0xd: {  	s15 =	sadd.s32 $0x180, s10;
	s10 =	sadd.s32 $0x200, s10;
	s8 =	ssub.s32 s8, s9  }
0xe: {  	s9 =	smul.u32 $0x50000, s16;
	[dreg:$0x5] =	wrdreg s11;
	s12 =	sshll.u32 s22, $0x7  }
0xf: {  	s11 =	sadd.s32 s22, s2;
	s14 =	sadd.s32 s21, s14;
	s5 =	sadd.s32 s5, s26  }
0x10: {  	s6 =	sshrl.u32 s6, $0x3;
	[dreg:$0x6] =	wrdreg s11;
	s11 =	sshll.u32 s13, $0x7  }
0x11: {  	s13 =	sadd.s32 s13, s2;
	s14 =	sshrl.u32 s14, $0x3;
	s24 =	sadd.s32 s21, s12  }
0x12: {  	s18 =	sadd.s32 $0x4E380, s5;
	s26 =	smax.u32 s8, $0x1;
	s8 =	simm.s32 $0x3  }
0x13: {  	s19 =	sadd.s32 s7, s6;
	[dreg:$0x7] =	wrdreg s13;
	s13 =	sshll.u32 s15, $0x7  }
0x14: {  	s15 =	sadd.s32 s15, s2;
	s2 =	sadd.s32 s10, s2;
	[dreg:$0x11] =	wrdreg s26  }
0x15: {  	s23 =	sadd.s32 s0, s14;
	s25 =	sadd.s32 s21, s11;
	[dreg:$0x8] =	wrdreg s15  }
0x16: {  	s20 =	sshrl.u32 s18, $0x3;
	s15 =	sshll.u32 s10, $0x7;
	[dreg:$0x9] =	wrdreg s2  }
0x17: {  	[dreg:$0xa] =	wrdreg s23;
	s2 =	sshrl.u32 s24, $0x3;
	s10 =	sshrl.u32 s25, $0x3  }
0x18: {  	s16 =	sadd.s32 s21, s13;
	s22 =	sadd.s32 $0x9C40, s19;
	s24 =	sadd.s32 $0x9C50, s19  }
0x19: {  	s25 =	sshrl.u32 s9, $0x2;
	s28 =	smov.u32 s19;
	s26 =	sadd.s32 $0xA120, s19  }
0x1a: {  	s9 =	simm.s32 $0x5;
	s2 =	sadd.s32 s0, s2;
	s10 =	sadd.s32 s0, s10  }
0x1b: {  	s6 =	sadd.s32 s21, s15;
	s21 =	sadd.s32 $0x4E300, s5;
	[dreg:$0xf] =	wrdreg s22  }
0x1c: {  	[dreg:$0x10] =	wrdreg s24;
	s22 =	sadd.s32 s12, s3;
	s24 =	sadd.s32 s13, s3  }
0x1d: {  	s12 =	simm.s32 $0xA880;
	s13 =	simm.s32 $0x10;
	[dreg:$0xb] =	wrdreg s2  }
0x1e: {  	s5 =	simm.s32 $0x0;
	[dreg:$0xc] =	wrdreg s10;
	s2 =	sshrl.u32 s16, $0x3  }
0x1f: {  	s17 =	sshrl.u32 s6, $0x3;
	s23 =	sshrl.u32 s21, $0x3;
	s21 =	simm.s32 $0x8100  }
0x20: {  	s6 =	simm.s32 $0x8080;
	s10 =	simm.s32 $0x4;
	s2 =	sadd.s32 s0, s2  }
0x21: {  	s0 =	sadd.s32 s0, s17;
	s17 =	sadd.s32 s20, s7;
	s18 =	sadd.s32 s23, s7  }
0x22: {  	s20 =	sadd.s32 s25, s3;
	s23 =	sadd.s32 s11, s3;
	s25 =	sadd.s32 s15, s3  }
0x23: {  	s7 =	simm.s32 $0x4000;
	s11 =	simm.s32 $0x2;
	[dreg:$0xd] =	wrdreg s2  }
0x24: {  	v0 =	vimm.f32 $0.0e+00;
	v1 =	vimm.f32 $1.000000000e+00;
	[dreg:$0xe] =	wrdreg s0;
	s0 =	simm.s32 $0x8000;
	s2 =	simm.s32 $0x80  }
.LBB2_1:
0x25: {  	[tilespmem:s21], [sflag:$0x1] =	stream.linear.gather [hbm4b:s28+s4], $0x2710, $0x38;
	[tilespmem:$0x1EC80] =	vst v63  }
0x26: {  	s14 =	sand.u32 $0xFE00, s4  }
0x27: {  	s15 =	sand.u32 $0x70, s4;
	s16 =	sshrl.u32 s14, $0x2  }
0x28: {  	s14 =	simm.s32 $0x40;
	s16 =	sor.u32 s15, s16;
	s15 =	simm.s32 $0x0  }
.LBB2_2:
0x29: {  	p0 =	sne.s32 s14, $0xFFC0  }
0x2a: {  	[tilespmem:s16+$0x0] =	vst v0;
	s15 =	sadd.s32 $0x10, s15;
	s16 =	smov.u32 s14;
	s14 =	sadd.s32 $0x40, s14  }
.Ltmp0:
0x2b: {  	(pc) =	sbr.rel @p0 .LBB2_2-.Ltmp0, $4  }
0x2c: {  	_ = 	snop  }
0x2d: {  	s16 =	sand.u32 $0xFE00, s16  }
0x2e: {  	s19 =	sand.u32 $0x70, s15;
	s16 =	sshrl.u32 s16, $0x2  }
0x2f: {  	s16 =	sor.u32 s19, s16  }
0x30: {  	[tilespmem:s16+$0x0] =	vst v0  }
0x31: {  	[tilespmem:$0xA900] =	vst v1  }
0x32: {  	[tilespmem:$0xA980] =	vst v0  }
0x33: {  	[tilespmem:$0xA910] =	vst v1  }
0x34: {  	[tilespmem:$0xA990] =	vst v0  }
0x35: {  	[tilespmem:$0xA920] =	vst v1  }
0x36: {  	[tilespmem:$0xA9A0] =	vst v0  }
0x37: {  	[tilespmem:$0xA930] =	vst v1  }
0x38: {  	[tilespmem:$0xA9B0] =	vst v0  }
0x39: {  	[tilespmem:$0xA940] =	vst v1  }
0x3a: {  	[tilespmem:$0xA9C0] =	vst v0  }
0x3b: {  	[tilespmem:$0xA950] =	vst v1  }
0x3c: {  	[tilespmem:$0xA9D0] =	vst v0  }
0x3d: {  	[tilespmem:$0xA960] =	vst v1  }
0x3e: {  	[tilespmem:$0xA9E0] =	vst v0  }
0x3f: {  	[tilespmem:$0xA970] =	vst v1  }
0x40: {  	[tilespmem:$0xA9F0] =	vst v0  }
0x41: {  	s14 =	simm.s32 $0x0;
	_ =	strace $0x8000004E  }
0x42: {  	[spmem:s20] =	stream.linear.scatter [tilespmem:s14], [sflag:$0x6], $0x4000, $0x200038;
	[tilespmem:$0x1EC80] =	vst v63  }
0x43: {  	_ =	swait.ge [sflag:s29], $0x4000  }
0x44: {  	[sflag:s29] =	ssyncset.done $0x0  }
0x45: {  	s15 =	rddreg [dreg:$0x5];
	[sflag:s29] =	ssyncadd.s32 $0xFFFFC000  }
0x46: {  	[spmem:s15] =	stream.linear.scatter [tilespmem:s30], [sflag:$0x6], $0x80, $0x200038;
	[tilespmem:$0x1EC80] =	vst v63  }
0x47: {  	_ =	swait.ge [sflag:s29], $0x80  }
0x48: {  	[sflag:s29] =	ssyncset.done $0x0  }
0x49: {  	[sflag:s29] =	ssyncadd.s32 $0xFFFFFF80  }
0x4a: {  	[spmem:s22] =	stream.linear.scatter [tilespmem:s14], [sflag:$0x6], $0x4000, $0x200038;
	[tilespmem:$0x1EC80] =	vst v63  }
0x4b: {  	_ =	swait.ge [sflag:s29], $0x4000  }
0x4c: {  	[sflag:s29] =	ssyncset.done $0x0  }
0x4d: {  	s19 =	rddreg [dreg:$0x6];
	[sflag:s29] =	ssyncadd.s32 $0xFFFFC000  }
0x4e: {  	[spmem:s19] =	stream.linear.scatter [tilespmem:s30], [sflag:$0x6], $0x80, $0x200038;
	[tilespmem:$0x1EC80] =	vst v63  }
0x4f: {  	_ =	swait.ge [sflag:s29], $0x80  }
0x50: {  	[sflag:s29] =	ssyncset.done $0x0  }
0x51: {  	[sflag:s29] =	ssyncadd.s32 $0xFFFFFF80  }
0x52: {  	[spmem:s23] =	stream.linear.scatter [tilespmem:s14], [sflag:$0x6], $0x4000, $0x200038;
	[tilespmem:$0x1EC80] =	vst v63  }
0x53: {  	_ =	swait.ge [sflag:s29], $0x4000  }
0x54: {  	[sflag:s29] =	ssyncset.done $0x0  }
0x55: {  	s16 =	rddreg [dreg:$0x7];
	[sflag:s29] =	ssyncadd.s32 $0xFFFFC000  }
0x56: {  	[spmem:s16] =	stream.linear.scatter [tilespmem:s30], [sflag:$0x6], $0x80, $0x200038;
	[tilespmem:$0x1EC80] =	vst v63  }
0x57: {  	_ =	swait.ge [sflag:s29], $0x80  }
0x58: {  	[sflag:s29] =	ssyncset.done $0x0  }
0x59: {  	[sflag:s29] =	ssyncadd.s32 $0xFFFFFF80  }
0x5a: {  	[spmem:s24] =	stream.linear.scatter [tilespmem:s14], [sflag:$0x6], $0x4000, $0x200038;
	[tilespmem:$0x1EC80] =	vst v63  }
0x5b: {  	_ =	swait.ge [sflag:s29], $0x4000  }
0x5c: {  	[sflag:s29] =	ssyncset.done $0x0  }
0x5d: {  	s19 =	rddreg [dreg:$0x8];
	[sflag:s29] =	ssyncadd.s32 $0xFFFFC000  }
0x5e: {  	[spmem:s19] =	stream.linear.scatter [tilespmem:s30], [sflag:$0x6], $0x80, $0x200038;
	[tilespmem:$0x1EC80] =	vst v63  }
0x5f: {  	_ =	swait.ge [sflag:s29], $0x80  }
0x60: {  	[sflag:s29] =	ssyncset.done $0x0  }
0x61: {  	[sflag:s29] =	ssyncadd.s32 $0xFFFFFF80  }
0x62: {  	[spmem:s25] =	stream.linear.scatter [tilespmem:s14], [sflag:$0x6], $0x4000, $0x200038;
	[tilespmem:$0x1EC80] =	vst v63  }
0x63: {  	_ =	swait.ge [sflag:s29], $0x4000  }
0x64: {  	[sflag:s29] =	ssyncset.done $0x0  }
0x65: {  	s16 =	rddreg [dreg:$0x9];
	[sflag:s29] =	ssyncadd.s32 $0xFFFFC000  }
0x66: {  	[spmem:s16] =	stream.linear.scatter [tilespmem:s30], [sflag:$0x6], $0x80, $0x200038;
	[tilespmem:$0x1EC80] =	vst v63  }
0x67: {  	_ =	swait.ge [sflag:s29], $0x80  }
0x68: {  	[sflag:s29] =	ssyncset.done $0x0  }
0x69: {  	[sflag:s29] =	ssyncadd.s32 $0xFFFFFF80  }
0x6a: {  	_ =	swait.ge [sflag:s31], $0x2710  }
0x6b: {  	[sflag:s31] =	ssyncset.done $0x0  }
0x6c: {  	[sflag:s31] =	ssyncadd.s32 $0xFFFFD8F0  }
0x6d: {  	[bflag:$0x0] =	sbarrier.arrive $0xFFFF  }
0x6e: {  	_ =	strace $0x9000004E  }
0x6f: {  	_ =	strace $0x8000004F  }
0x70: {  	s19 =	rddreg [dreg:$0xf]  }
0x71: {  	[tilespmem:s0], [sflag:$0x3] =	stream.linear.gather [hbm4b:s19+s14], $0x80, $0x200038;
	[tilespmem:$0x1EC80] =	vst v63  }
0x72: {  	_ = 	snop  }
0x73: {  	[tilespmem:s14], [sflag:$0x1] =	stream.indirect.gather [hbm4b:s1+s2], $0x80, s21, s2, $0x2000b8;
	[tilespmem:$0x1EC80] =	vst v63  }
0x74: {  	s21 =	rddreg [dreg:$0x10]  }
0x75: {  	[tilespmem:s6], [sflag:$0x4] =	stream.linear.gather [hbm4b:s21+s14], $0x80, $0x200038;
	[tilespmem:$0x1EC80] =	vst v63  }
0x76: {  	s15 =	simm.s32 $0x8180  }
0x77: {  	[tilespmem:s7], [sflag:$0x2] =	stream.indirect.gather [hbm4b:s1+s2], $0x80, s15, s2, $0x2000b8;
	[tilespmem:$0x1EC80] =	vst v63  }
0x78: {  	_ =	swait.ge [sflag:s8], $0x80  }
0x79: {  	[sflag:s8] =	ssyncset.done $0x0  }
0x7a: {  	[sflag:s8] =	ssyncadd.s32 $0xFFFFFF80  }
0x7b: {  	_ =	swait.ge [sflag:s31], $0x4000  }
0x7c: {  	[sflag:s31] =	ssyncset.done $0x0  }
0x7d: {  	[sflag:s31] =	ssyncadd.s32 $0xFFFFC000  }
0x7e: {  	[spmem:s3] =	stream.indirect.scatter.add.f32 [tilespmem:s4], [sflag:$0x5], $0x80, s0, s2, $0x2000b8;
	[tilespmem:$0x1EC80] =	vst v63  }
0x7f: {  	_ =	swait.ge [sflag:s9], $0x4000  }
0x80: {  	[sflag:s9] =	ssyncset.done $0x0  }
0x81: {  	s16 =	sadd.s32 $0x0, s18;
	[sflag:s9] =	ssyncadd.s32 $0xFFFFC000  }
0x82: {  	[tilespmem:s0], [sflag:$0x3] =	stream.linear.gather [hbm4b:s16+s4], $0x80, $0x200038;
	[tilespmem:$0x1EC80] =	vst v63  }
0x83: {  	s19 =	simm.s32 $0x8200  }
0x84: {  	[tilespmem:s4], [sflag:$0x1] =	stream.indirect.gather [hbm4b:s1+s2], $0x80, s19, s2, $0x2000b8;
	[tilespmem:$0x1EC80] =	vst v63  }
0x85: {  	_ =	swait.ge [sflag:s10], $0x80  }
0x86: {  	[sflag:s10] =	ssyncset.done $0x0  }
0x87: {  	[sflag:s10] =	ssyncadd.s32 $0xFFFFFF80  }
0x88: {  	_ =	swait.ge [sflag:s11], $0x4000  }
0x89: {  	[sflag:s11] =	ssyncset.done $0x0  }
0x8a: {  	[sflag:s11] =	ssyncadd.s32 $0xFFFFC000  }
0x8b: {  	[spmem:s3] =	stream.indirect.scatter.add.f32 [tilespmem:s7], [sflag:$0x5], $0x80, s6, s2, $0x2000b8;
	[tilespmem:$0x1EC80] =	vst v63  }
0x8c: {  	_ =	swait.ge [sflag:s9], $0x4000  }
0x8d: {  	s21 =	sadd.s32 $0x0, s17;
	s14 =	simm.s32 $0x8280;
	[sflag:s9] =	ssyncset.done $0x0  }
0x8e: {  	s15 =	simm.s32 $0x20;
	s16 =	simm.s32 $0x8380;
	[sflag:s9] =	ssyncadd.s32 $0xFFFFC000  }
0x8f: {  	[tilespmem:s6], [sflag:$0x4] =	stream.linear.gather [hbm4b:s21+s4], $0x80, $0x200038;
	[tilespmem:$0x1EC80] =	vst v63  }
.LBB2_4:
0x90: {  	[tilespmem:s7], [sflag:$0x2] =	stream.indirect.gather [hbm4b:s1+s2], $0x80, s14, s2, $0x2000b8;
	[tilespmem:$0x1EC80] =	vst v63  }
0x91: {  	s19 =	smov.u32 s15;
	s14 =	smov.u32 s16  }
0x92: {  	p0 =	sne.s32 s15, $0x4A0;
	s15 =	sadd.s32 $0x20, s15;
	_ =	swait.ge [sflag:s8], $0x80  }
0x93: {  	[sflag:s8] =	ssyncset.done $0x0  }
0x94: {  	[sflag:s8] =	ssyncadd.s32 $0xFFFFFF80  }
0x95: {  	_ =	swait.ge [sflag:s31], $0x4000  }
0x96: {  	[sflag:s31] =	ssyncset.done $0x0  }
0x97: {  	[sflag:s31] =	ssyncadd.s32 $0xFFFFC000  }
0x98: {  	[spmem:s3] =	stream.indirect.scatter.add.f32 [tilespmem:s4], [sflag:$0x5], $0x80, s0, s2, $0x2000b8;
	[tilespmem:$0x1EC80] =	vst v63  }
0x99: {  	_ =	swait.ge [sflag:s9], $0x4000  }
0x9a: {  	[sflag:s9] =	ssyncset.done $0x0  }
0x9b: {  	s21 =	sadd.s32 s19, s18;
	[sflag:s9] =	ssyncadd.s32 $0xFFFFC000  }
0x9c: {  	[tilespmem:s0], [sflag:$0x3] =	stream.linear.gather [hbm4b:s21+s4], $0x80, $0x200038;
	[tilespmem:$0x1EC80] =	vst v63  }
0x9d: {  	s21 =	sadd.s32 $0xFFFFFF80, s16  }
0x9e: {  	[tilespmem:s4], [sflag:$0x1] =	stream.indirect.gather [hbm4b:s1+s2], $0x80, s21, s2, $0x2000b8;
	[tilespmem:$0x1EC80] =	vst v63  }
0x9f: {  	_ =	swait.ge [sflag:s10], $0x80  }
0xa0: {  	[sflag:s10] =	ssyncset.done $0x0  }
0xa1: {  	[sflag:s10] =	ssyncadd.s32 $0xFFFFFF80  }
0xa2: {  	_ =	swait.ge [sflag:s11], $0x4000  }
0xa3: {  	[sflag:s11] =	ssyncset.done $0x0  }
0xa4: {  	[sflag:s11] =	ssyncadd.s32 $0xFFFFC000  }
0xa5: {  	[spmem:s3] =	stream.indirect.scatter.add.f32 [tilespmem:s7], [sflag:$0x5], $0x80, s6, s2, $0x2000b8;
	[tilespmem:$0x1EC80] =	vst v63  }
.Ltmp1:
0xa6: {  	_ =	swait.ge [sflag:s9], $0x4000;
	(pc) =	sbr.rel @p0 .LBB2_4-.Ltmp1, $4  }
0xa7: {  	[sflag:s9] =	ssyncset.done $0x0  }
0xa8: {  	s19 =	sadd.s32 s19, s17;
	[sflag:s9] =	ssyncadd.s32 $0xFFFFC000  }
0xa9: {  	[tilespmem:s6], [sflag:$0x4] =	stream.linear.gather [hbm4b:s19+s4], $0x80, $0x200038;
	[tilespmem:$0x1EC80] =	vst v63  }
0xaa: {  	s16 =	sadd.s32 $0x100, s16  }
0xab: {  	[tilespmem:s7], [sflag:$0x2] =	stream.indirect.gather [hbm4b:s1+s2], $0x80, s14, s2, $0x2000b8;
	[tilespmem:$0x1EC80] =	vst v63  }
0xac: {  	_ =	swait.ge [sflag:s8], $0x80  }
0xad: {  	[sflag:s8] =	ssyncset.done $0x0  }
0xae: {  	[sflag:s8] =	ssyncadd.s32 $0xFFFFFF80  }
0xaf: {  	_ =	swait.ge [sflag:s31], $0x4000  }
0xb0: {  	[sflag:s31] =	ssyncset.done $0x0  }
0xb1: {  	[sflag:s31] =	ssyncadd.s32 $0xFFFFC000  }
0xb2: {  	[spmem:s3] =	stream.indirect.scatter.add.f32 [tilespmem:s4], [sflag:$0x5], $0x80, s0, s2, $0x2000b8;
	[tilespmem:$0x1EC80] =	vst v63  }
0xb3: {  	_ =	swait.ge [sflag:s9], $0x4000  }
0xb4: {  	[sflag:s9] =	ssyncset.done $0x0  }
0xb5: {  	[sflag:s9] =	ssyncadd.s32 $0xFFFFC000  }
0xb6: {  	_ =	swait.ge [sflag:s10], $0x80  }
0xb7: {  	[sflag:s10] =	ssyncset.done $0x0  }
0xb8: {  	[sflag:s10] =	ssyncadd.s32 $0xFFFFFF80  }
0xb9: {  	_ =	swait.ge [sflag:s11], $0x4000  }
0xba: {  	[sflag:s11] =	ssyncset.done $0x0  }
0xbb: {  	[sflag:s11] =	ssyncadd.s32 $0xFFFFC000  }
0xbc: {  	[spmem:s3] =	stream.indirect.scatter.add.f32 [tilespmem:s7], [sflag:$0x5], $0x80, s6, s2, $0x2000b8;
	[tilespmem:$0x1EC80] =	vst v63  }
0xbd: {  	_ =	swait.ge [sflag:s9], $0x4000  }
0xbe: {  	[sflag:s9] =	ssyncset.done $0x0  }
0xbf: {  	[sflag:s9] =	ssyncadd.s32 $0xFFFFC000  }
0xc0: {  	[tilespmem:s12], [sflag:$0x6] =	stream.linear.gather [hbm4b:s26+s4], $0x10, $0x200038;
	[tilespmem:$0x1EC80] =	vst v63  }
0xc1: {  	_ =	swait.ge [sflag:s29], $0x10  }
0xc2: {  	[sflag:s29] =	ssyncset.done $0x0  }
0xc3: {  	s16 =	simm.s32 $0xA800;
	[sflag:s29] =	ssyncadd.s32 $0xFFFFFFF0  }
0xc4: {  	[tilespmem:s4], [sflag:$0x1] =	stream.indirect.gather [hbm4b:s1+s13], $0x80, s16, s13, $0x2000b8;
	[tilespmem:$0x1EC80] =	vst v63  }
0xc5: {  	_ =	swait.ge [sflag:s31], $0x800  }
0xc6: {  	[sflag:s31] =	ssyncset.done $0x0  }
0xc7: {  	[sflag:s31] =	ssyncadd.s32 $0xFFFFF800  }
0xc8: {  	[spmem:s3] =	stream.indirect.scatter.add.f32 [tilespmem:s4], [sflag:$0x6], $0x80, s12, s13, $0x2000b8;
	[tilespmem:$0x1EC80] =	vst v63  }
0xc9: {  	_ =	swait.ge [sflag:s29], $0x800  }
0xca: {  	[sflag:s29] =	ssyncset.done $0x0  }
0xcb: {  	[sflag:s29] =	ssyncadd.s32 $0xFFFFF800  }
0xcc: {  	[bflag:$0x0] =	sbarrier.arrive $0xFFFF  }
0xcd: {  	_ =	strace $0x9000004F  }
0xce: {  	_ =	strace $0x80000050  }
0xcf: {  	[tilespmem:s4], [sflag:$0x6] =	stream.linear.gather [spmem:s20], $0x4000, $0x200038;
	[tilespmem:$0x1EC80] =	vst v63  }
0xd0: {  	_ =	swait.ge [sflag:s29], $0x4000  }
0xd1: {  	[sflag:s29] =	ssyncset.done $0x0  }
0xd2: {  	s19 =	rddreg [dreg:$0xa];
	[sflag:s29] =	ssyncadd.s32 $0xFFFFC000  }
0xd3: {  	[hbm4b:s19+s4] =	stream.linear.scatter [tilespmem:s4], [sflag:$0x6], $0x4000, $0x200038;
	[tilespmem:$0x1EC80] =	vst v63  }
0xd4: {  	_ =	swait.ge [sflag:s29], $0x4000  }
0xd5: {  	[sflag:s29] =	ssyncset.done $0x0  }
0xd6: {  	[sflag:s29] =	ssyncadd.s32 $0xFFFFC000  }
0xd7: {  	[tilespmem:s4], [sflag:$0x6] =	stream.linear.gather [spmem:s22], $0x4000, $0x200038;
	[tilespmem:$0x1EC80] =	vst v63  }
0xd8: {  	_ =	swait.ge [sflag:s29], $0x4000  }
0xd9: {  	[sflag:s29] =	ssyncset.done $0x0  }
0xda: {  	s21 =	rddreg [dreg:$0xb];
	[sflag:s29] =	ssyncadd.s32 $0xFFFFC000  }
0xdb: {  	[hbm4b:s21+s4] =	stream.linear.scatter [tilespmem:s4], [sflag:$0x6], $0x4000, $0x200038;
	[tilespmem:$0x1EC80] =	vst v63  }
0xdc: {  	_ =	swait.ge [sflag:s29], $0x4000  }
0xdd: {  	[sflag:s29] =	ssyncset.done $0x0  }
0xde: {  	[sflag:s29] =	ssyncadd.s32 $0xFFFFC000  }
0xdf: {  	[tilespmem:s4], [sflag:$0x6] =	stream.linear.gather [spmem:s23], $0x4000, $0x200038;
	[tilespmem:$0x1EC80] =	vst v63  }
0xe0: {  	_ =	swait.ge [sflag:s29], $0x4000  }
0xe1: {  	[sflag:s29] =	ssyncset.done $0x0  }
0xe2: {  	s15 =	rddreg [dreg:$0xc];
	[sflag:s29] =	ssyncadd.s32 $0xFFFFC000  }
0xe3: {  	[hbm4b:s15+s4] =	stream.linear.scatter [tilespmem:s4], [sflag:$0x6], $0x4000, $0x200038;
	[tilespmem:$0x1EC80] =	vst v63  }
0xe4: {  	_ =	swait.ge [sflag:s29], $0x4000  }
0xe5: {  	[sflag:s29] =	ssyncset.done $0x0  }
0xe6: {  	[sflag:s29] =	ssyncadd.s32 $0xFFFFC000  }
0xe7: {  	[tilespmem:s4], [sflag:$0x6] =	stream.linear.gather [spmem:s24], $0x4000, $0x200038;
	[tilespmem:$0x1EC80] =	vst v63  }
0xe8: {  	_ =	swait.ge [sflag:s29], $0x4000  }
0xe9: {  	[sflag:s29] =	ssyncset.done $0x0  }
0xea: {  	s16 =	rddreg [dreg:$0xd];
	[sflag:s29] =	ssyncadd.s32 $0xFFFFC000  }
0xeb: {  	[hbm4b:s16+s4] =	stream.linear.scatter [tilespmem:s4], [sflag:$0x6], $0x4000, $0x200038;
	[tilespmem:$0x1EC80] =	vst v63  }
0xec: {  	_ =	swait.ge [sflag:s29], $0x4000  }
0xed: {  	[sflag:s29] =	ssyncset.done $0x0  }
0xee: {  	[sflag:s29] =	ssyncadd.s32 $0xFFFFC000  }
0xef: {  	[tilespmem:s4], [sflag:$0x6] =	stream.linear.gather [spmem:s25], $0x4000, $0x200038;
	[tilespmem:$0x1EC80] =	vst v63  }
0xf0: {  	_ =	swait.ge [sflag:s29], $0x4000  }
0xf1: {  	[sflag:s29] =	ssyncset.done $0x0  }
0xf2: {  	s19 =	rddreg [dreg:$0xe];
	[sflag:s29] =	ssyncadd.s32 $0xFFFFC000  }
0xf3: {  	[hbm4b:s19+s4] =	stream.linear.scatter [tilespmem:s4], [sflag:$0x6], $0x4000, $0x200038;
	[tilespmem:$0x1EC80] =	vst v63  }
0xf4: {  	_ =	swait.ge [sflag:s29], $0x4000  }
0xf5: {  	s5 =	sadd.s32 $0x1, s5;
	s21 =	rddreg [dreg:$0x11]  }
0xf6: {  	p0 =	sne.s32 s5, s21  }
.Ltmp2:
0xf7: {  	_ = 	snop;
	(pc) =	sbr.rel @p0 .LBB2_1-.Ltmp2, $4  }
0xf8: {  	_ = 	snop  }
0xf9: {  	[sflag:s29] =	ssyncset.done $0x0  }
0xfa: {  	[sflag:s29] =	ssyncadd.s32 $0xFFFFC000  }
0xfb: {  	s21 =	simm.s32 $0x8100;
	_ =	strace $0x90000050  }
0xfc: {  	_ =	sfence.sel $0x180000  }
0xfd: {  	[bflag:$0x0] =	sbarrier.arrive $0xFFFF  }
0xfe: {  	_ =	strace $0x9000004D  }
0xff: {  	s0 =	stileid.u32;
	[bflag:$0x2] =	sbarrier.arrive $0xFFFF  }
0x100: {  	p0 =	sne.s32 s0, $0x0;
	s0 =	rddreg [dreg:$0x4]  }
0x101: {  	s0 =	sadd.s32 @!p0 $0x100000, s0  }
0x102: {  	[sflag:s0] =	ssyncadd.tile.s32 @!p0 $0x1;
	_ =	shalt  }
.Lfunc_end2:
_tile_overlayer_lowered:
.L_overlay_start_2:
0x103: {  	(tag) =	ssettag $0x2  }
0x104: {  	s0 =	rddreg [dreg:$0x0];
	s2 =	stileid.u32  }
0x105: {  	s1 =	rddreg [dreg:$0x1];
	p0 =	sne.s32 s2, $0x0  }
0x106: {  	s3 =	rddreg [dreg:$0x2];
	[bflag:$0x3] =	sbarrier.arrive $0xFFFF;
	s2 =	simm.s32 @!p0 $0x1C06  }
0x107: {  	[timem:s3], [sflag:s2] =	dma.local @!p0 [hbm:s0], s1  }
0x108: {  	s0 =	simm.s32 @!p0 $0x6  }
0x109: {  	_ =	swait.ge @!p0 [sflag:s0], s1  }
0x10a: {  	s1 =	ssub.s32 @!p0 $0x0, s1;
	[sflag:s0] =	ssyncset.done @!p0 $0x0  }
0x10b: {  	[sflag:s0] =	ssyncadd.s32 @!p0 s1  }
0x10c: {  	[bflag:$0x3] =	sbarrier.arrive $0xFFFF  }
0x10d: {  	_ =	shalt  }

</sc_bundles>
